<compile_context>
chip_gen: v7x
topology: tpu7x:2x2x1
jax: 0.10.2.dev20260603
libtpu: 0.0.44.dev20260713+nightly
codegen_flags: <defaults>
</compile_context>

<pallas_src>
import functools

import jax
import jax.numpy as jnp
from jax import lax
from jax.experimental import pallas as pl
from jax.experimental.pallas import tpu as pltpu
from jax.experimental.pallas import tpu_sc as plsc

BATCH = 16384
NUM_FACTORS = 32
NUM_WORKERS = 32
PER_WORKER = BATCH // NUM_WORKERS
N_CHUNKS = 4
CHUNK = PER_WORKER // N_CHUNKS
GROUPS = PER_WORKER // 16


def _sc_body(uid_hbm, iid_hbm, exp_hbm, uemb_hbm, iemb_hbm, gamma_hbm,
             bias_hbm, out_hbm,
             uid_v, iid_v, exp_v, urows_v, irows_v, gam_v, bias_v, out_v,
             sem, sem2):
    n_cores = 2
    wid = lax.axis_index("s") * n_cores + lax.axis_index("c")
    base = wid * PER_WORKER

    pltpu.sync_copy(uid_hbm.at[wid], uid_v)
    pltpu.sync_copy(iid_hbm.at[wid], iid_v)
    pltpu.sync_copy(exp_hbm.at[pl.ds(base, PER_WORKER)], exp_v)
    pltpu.sync_copy(bias_hbm, bias_v)

    copies = []
    for j in range(N_CHUNKS):
        copies.append(pltpu.async_copy(
            uemb_hbm.at[uid_v.at[j]],
            urows_v.at[pl.ds(j * CHUNK, CHUNK)], sem))
        copies.append(pltpu.async_copy(
            iemb_hbm.at[iid_v.at[j]],
            irows_v.at[pl.ds(j * CHUNK, CHUNK)], sem))
        copies.append(pltpu.async_copy(
            gamma_hbm.at[uid_v.at[j]],
            gam_v.at[pl.ds(j * CHUNK, CHUNK)], sem2))
    for c in copies:
        c.wait()

    lane = lax.iota(jnp.int32, 16)
    bias_vec = bias_v[...]

    def group(g, _):
        row = g * 16 + lane
        acc = gam_v[pl.ds(g * 16, 16)] * exp_v[pl.ds(g * 16, 16)] + bias_vec
        for d in range(NUM_FACTORS):
            col = jnp.full((16,), d, jnp.int32)
            u = plsc.load_gather(urows_v, [row, col])
            v = plsc.load_gather(irows_v, [row, col])
            acc = acc + u * v
        out_v[pl.ds(g * 16, 16)] = acc
        return _

    lax.fori_loop(0, GROUPS, group, None)

    pltpu.sync_copy(out_v, out_hbm.at[pl.ds(base, PER_WORKER)])


@jax.jit
def kernel(user_ids, item_ids, exposures_hat, user_embeddings,
           item_embeddings, gamma, bias):
    mesh = plsc.VectorSubcoreMesh(core_axis_name="c", subcore_axis_name="s")
    uid3 = user_ids.reshape(NUM_WORKERS, N_CHUNKS, CHUNK)
    iid3 = item_ids.reshape(NUM_WORKERS, N_CHUNKS, CHUNK)
    bias16 = jnp.broadcast_to(bias, (16,))
    run = functools.partial(
        pl.kernel,
        mesh=mesh,
        compiler_params=pltpu.CompilerParams(
            needs_layout_passes=False, use_tc_tiling_on_sc=False),
        out_type=jax.ShapeDtypeStruct((BATCH,), jnp.float32),
        scratch_types=[
            pltpu.VMEM((N_CHUNKS, CHUNK), jnp.int32),
            pltpu.VMEM((N_CHUNKS, CHUNK), jnp.int32),
            pltpu.VMEM((PER_WORKER,), jnp.float32),
            pltpu.VMEM((PER_WORKER, NUM_FACTORS), jnp.float32),
            pltpu.VMEM((PER_WORKER, NUM_FACTORS), jnp.float32),
            pltpu.VMEM((PER_WORKER,), jnp.float32),
            pltpu.VMEM((16,), jnp.float32),
            pltpu.VMEM((PER_WORKER,), jnp.float32),
            pltpu.SemaphoreType.DMA,
            pltpu.SemaphoreType.DMA,
        ],
    )(_sc_body)
    return run(uid3, iid3, exposures_hat, user_embeddings, item_embeddings,
               gamma, bias16)

# --- scband reference (transcript-rebuilt; emitter-appended) ---
"""Pipeline reference for scband-deconfounded-matrix-factorization-73126113181968 (READ-ONLY COPY).

The authoritative reference and input builder live on the scoring server;
editing this copy changes nothing except your own understanding.
"""

import jax, jax.numpy as jnp
import numpy as np

NUM_USERS = 1000000
NUM_ITEMS = 100000
NUM_FACTORS = 32
BATCH = 16384


def setup_inputs(seed: int = 0) -> dict:
    key = jax.random.key(seed)
    k1, k2, k3, k4, k5, k6 = jax.random.split(key, 6)
    user_ids = jax.random.randint(k1, (BATCH,), 0, NUM_USERS, dtype=jnp.int64 if jax.config.jax_enable_x64 else jnp.int32).astype(jnp.int32)
    item_ids = jax.random.randint(k2, (BATCH,), 0, NUM_ITEMS, dtype=jnp.int64 if jax.config.jax_enable_x64 else jnp.int32).astype(jnp.int32)
    exposures_hat = jax.random.uniform(k3, (BATCH,), dtype=jnp.float32)
    user_embeddings = jax.random.normal(k4, (NUM_USERS, NUM_FACTORS), dtype=jnp.float32)
    item_embeddings = jax.random.normal(k5, (NUM_ITEMS, NUM_FACTORS), dtype=jnp.float32)
    gamma = jax.random.normal(k6, (NUM_USERS,), dtype=jnp.float32)
    bias = jnp.zeros((1,), dtype=jnp.float32)
    return {
        "user_ids": user_ids,
        "item_ids": item_ids,
        "exposures_hat": exposures_hat,
        "user_embeddings": user_embeddings,
        "item_embeddings": item_embeddings,
        "gamma": gamma,
        "bias": bias,
    }


def reference(user_ids, item_ids, exposures_hat, user_embeddings, item_embeddings, gamma, bias):
    theta_u = jnp.take(user_embeddings, user_ids, axis=0)
    beta_i = jnp.take(item_embeddings, item_ids, axis=0)
    gamma_u = jnp.take(gamma, user_ids, axis=0)
    dot = jnp.sum(theta_u * beta_i, axis=1)
    prediction = dot + gamma_u * exposures_hat + bias
    return prediction

if __name__ == "__main__":
    import jax
    _d = setup_inputs()
    print(jax.jit(kernel)(*tuple(_d.values())))

</pallas_src>

<mosaic_0001>
#map = affine_map<(d0, d1) -> (0, 0, 0)>
#map1 = affine_map<(d0, d1) -> (0)>
#map2 = affine_map<(d0, d1) -> (0, 0)>
module attributes {stable_mosaic.version = 14 : i64} {
  func.func @_sc_body(%arg0: i32, %arg1: i32, %arg2: memref<32x4x128xi32, #tpu.memory_space<hbm>>, %arg3: memref<32x4x128xi32, #tpu.memory_space<hbm>>, %arg4: memref<16384xf32, #tpu.memory_space<hbm>>, %arg5: memref<1000000x32xf32, #tpu.memory_space<hbm>>, %arg6: memref<100000x32xf32, #tpu.memory_space<hbm>>, %arg7: memref<1000000xf32, #tpu.memory_space<hbm>>, %arg8: memref<16xf32, #tpu.memory_space<hbm>>, %arg9: memref<16384xf32, #tpu.memory_space<hbm>>, %arg10: memref<4x128xi32, #tpu.memory_space<vmem>>, %arg11: memref<4x128xi32, #tpu.memory_space<vmem>>, %arg12: memref<512xf32, #tpu.memory_space<vmem>>, %arg13: memref<512x32xf32, #tpu.memory_space<vmem>>, %arg14: memref<512x32xf32, #tpu.memory_space<vmem>>, %arg15: memref<512xf32, #tpu.memory_space<vmem>>, %arg16: memref<16xf32, #tpu.memory_space<vmem>>, %arg17: memref<512xf32, #tpu.memory_space<vmem>>, %arg18: memref<!tpu.dma_semaphore, #tpu.memory_space<semaphore_mem>>, %arg19: memref<!tpu.dma_semaphore, #tpu.memory_space<semaphore_mem>>) attributes {dimension_semantics = [#tpu.dimension_semantics<core_parallel>, #tpu.dimension_semantics<subcore_parallel>], iteration_bounds = array<i64: 2, 16>, scalar_prefetch = 0 : i64, scratch_operands = 10 : i64, tpu.core_type = #tpu.core_type<sc_vector_subcore>, window_params = [{transform_indices = #map}, {transform_indices = #map}, {transform_indices = #map1}, {transform_indices = #map2}, {transform_indices = #map2}, {transform_indices = #map1}, {transform_indices = #map1}, {transform_indices = #map1}]} {
    %mul3A = arith.constant 2 : i32
    %mul3A_0 = arith.muli %arg1, %mul3A : i32
    %add3A = arith.addi %mul3A_0, %arg0 : i32
    %mul3A_1 = arith.constant 512 : i32
    %mul3A_2 = arith.muli %add3A, %mul3A_1 : i32
    "tpu.region"() ({
      %run_scoped3A = tpu.sem_alloc : memref<!tpu.dma_semaphore, #tpu.memory_space<semaphore_mem>>
      %dma_start3A_230 = arith.constant 0 : i32
      %dma_start3A_231 = arith.constant 0 : i32
      %dma_start3A_232 = tpu.memref_slice %arg2[%add3A, %dma_start3A_230, %dma_start3A_231] : memref<32x4x128xi32, #tpu.memory_space<hbm>> -> memref<1x4x128xi32, #tpu.memory_space<hbm>>
      %dma_start3A_233 = tpu.memref_squeeze %dma_start3A_232 : memref<1x4x128xi32, #tpu.memory_space<hbm>> -> memref<4x128xi32, #tpu.memory_space<hbm>>
      %dma_start3A_234 = arith.constant 0 : i32
      %dma_start3A_235 = arith.constant 0 : i32
      %dma_start3A_236 = tpu.memref_slice %arg2[%add3A, %dma_start3A_234, %dma_start3A_235] : memref<32x4x128xi32, #tpu.memory_space<hbm>> -> memref<1x4x128xi32, #tpu.memory_space<hbm>>
      %dma_start3A_237 = tpu.memref_squeeze %dma_start3A_236 : memref<1x4x128xi32, #tpu.memory_space<hbm>> -> memref<4x128xi32, #tpu.memory_space<hbm>>
      tpu.enqueue_dma source(%dma_start3A_237 : memref<4x128xi32, #tpu.memory_space<hbm>>) target(%arg10 : memref<4x128xi32, #tpu.memory_space<vmem>>) target_semaphore(%run_scoped3A : memref<!tpu.dma_semaphore, #tpu.memory_space<semaphore_mem>>)
      %dma_wait3A_238 = arith.constant 0 : i32
      %dma_wait3A_239 = arith.constant 0 : i32
      %dma_wait3A_240 = tpu.memref_slice %arg2[%add3A, %dma_wait3A_238, %dma_wait3A_239] : memref<32x4x128xi32, #tpu.memory_space<hbm>> -> memref<1x4x128xi32, #tpu.memory_space<hbm>>
      %dma_wait3A_241 = tpu.memref_squeeze %dma_wait3A_240 : memref<1x4x128xi32, #tpu.memory_space<hbm>> -> memref<4x128xi32, #tpu.memory_space<hbm>>
      %dma_wait3A_242 = arith.constant 0 : i32
      %dma_wait3A_243 = arith.constant 0 : i32
      %dma_wait3A_244 = tpu.memref_slice %arg2[%add3A, %dma_wait3A_242, %dma_wait3A_243] : memref<32x4x128xi32, #tpu.memory_space<hbm>> -> memref<1x4x128xi32, #tpu.memory_space<hbm>>
      %dma_wait3A_245 = tpu.memref_squeeze %dma_wait3A_244 : memref<1x4x128xi32, #tpu.memory_space<hbm>> -> memref<4x128xi32, #tpu.memory_space<hbm>>
      tpu.wait_dma2 semaphore(%run_scoped3A : memref<!tpu.dma_semaphore, #tpu.memory_space<semaphore_mem>>) src(%dma_wait3A_245 : memref<4x128xi32, #tpu.memory_space<hbm>>) dst(%arg10 : memref<4x128xi32, #tpu.memory_space<vmem>>)
      tpu.yield
    }) : () -> ()
    "tpu.region"() ({
      %run_scoped3A = tpu.sem_alloc : memref<!tpu.dma_semaphore, #tpu.memory_space<semaphore_mem>>
      %dma_start3A_230 = arith.constant 0 : i32
      %dma_start3A_231 = arith.constant 0 : i32
      %dma_start3A_232 = tpu.memref_slice %arg3[%add3A, %dma_start3A_230, %dma_start3A_231] : memref<32x4x128xi32, #tpu.memory_space<hbm>> -> memref<1x4x128xi32, #tpu.memory_space<hbm>>
      %dma_start3A_233 = tpu.memref_squeeze %dma_start3A_232 : memref<1x4x128xi32, #tpu.memory_space<hbm>> -> memref<4x128xi32, #tpu.memory_space<hbm>>
      %dma_start3A_234 = arith.constant 0 : i32
      %dma_start3A_235 = arith.constant 0 : i32
      %dma_start3A_236 = tpu.memref_slice %arg3[%add3A, %dma_start3A_234, %dma_start3A_235] : memref<32x4x128xi32, #tpu.memory_space<hbm>> -> memref<1x4x128xi32, #tpu.memory_space<hbm>>
      %dma_start3A_237 = tpu.memref_squeeze %dma_start3A_236 : memref<1x4x128xi32, #tpu.memory_space<hbm>> -> memref<4x128xi32, #tpu.memory_space<hbm>>
      tpu.enqueue_dma source(%dma_start3A_237 : memref<4x128xi32, #tpu.memory_space<hbm>>) target(%arg11 : memref<4x128xi32, #tpu.memory_space<vmem>>) target_semaphore(%run_scoped3A : memref<!tpu.dma_semaphore, #tpu.memory_space<semaphore_mem>>)
      %dma_wait3A_238 = arith.constant 0 : i32
      %dma_wait3A_239 = arith.constant 0 : i32
      %dma_wait3A_240 = tpu.memref_slice %arg3[%add3A, %dma_wait3A_238, %dma_wait3A_239] : memref<32x4x128xi32, #tpu.memory_space<hbm>> -> memref<1x4x128xi32, #tpu.memory_space<hbm>>
      %dma_wait3A_241 = tpu.memref_squeeze %dma_wait3A_240 : memref<1x4x128xi32, #tpu.memory_space<hbm>> -> memref<4x128xi32, #tpu.memory_space<hbm>>
      %dma_wait3A_242 = arith.constant 0 : i32
      %dma_wait3A_243 = arith.constant 0 : i32
      %dma_wait3A_244 = tpu.memref_slice %arg3[%add3A, %dma_wait3A_242, %dma_wait3A_243] : memref<32x4x128xi32, #tpu.memory_space<hbm>> -> memref<1x4x128xi32, #tpu.memory_space<hbm>>
      %dma_wait3A_245 = tpu.memref_squeeze %dma_wait3A_244 : memref<1x4x128xi32, #tpu.memory_space<hbm>> -> memref<4x128xi32, #tpu.memory_space<hbm>>
      tpu.wait_dma2 semaphore(%run_scoped3A : memref<!tpu.dma_semaphore, #tpu.memory_space<semaphore_mem>>) src(%dma_wait3A_245 : memref<4x128xi32, #tpu.memory_space<hbm>>) dst(%arg11 : memref<4x128xi32, #tpu.memory_space<vmem>>)
      tpu.yield
    }) : () -> ()
    "tpu.region"() ({
      %run_scoped3A = tpu.sem_alloc : memref<!tpu.dma_semaphore, #tpu.memory_space<semaphore_mem>>
      %dma_start3A_230 = tpu.memref_slice %arg4[%mul3A_2] : memref<16384xf32, #tpu.memory_space<hbm>> -> memref<512xf32, #tpu.memory_space<hbm>>
      %dma_start3A_231 = tpu.memref_slice %arg4[%mul3A_2] : memref<16384xf32, #tpu.memory_space<hbm>> -> memref<512xf32, #tpu.memory_space<hbm>>
      tpu.enqueue_dma source(%dma_start3A_231 : memref<512xf32, #tpu.memory_space<hbm>>) target(%arg12 : memref<512xf32, #tpu.memory_space<vmem>>) target_semaphore(%run_scoped3A : memref<!tpu.dma_semaphore, #tpu.memory_space<semaphore_mem>>)
      %dma_wait3A_232 = tpu.memref_slice %arg4[%mul3A_2] : memref<16384xf32, #tpu.memory_space<hbm>> -> memref<512xf32, #tpu.memory_space<hbm>>
      %dma_wait3A_233 = tpu.memref_slice %arg4[%mul3A_2] : memref<16384xf32, #tpu.memory_space<hbm>> -> memref<512xf32, #tpu.memory_space<hbm>>
      tpu.wait_dma2 semaphore(%run_scoped3A : memref<!tpu.dma_semaphore, #tpu.memory_space<semaphore_mem>>) src(%dma_wait3A_233 : memref<512xf32, #tpu.memory_space<hbm>>) dst(%arg12 : memref<512xf32, #tpu.memory_space<vmem>>)
      tpu.yield
    }) : () -> ()
    "tpu.region"() ({
      %run_scoped3A = tpu.sem_alloc : memref<!tpu.dma_semaphore, #tpu.memory_space<semaphore_mem>>
      tpu.enqueue_dma source(%arg8 : memref<16xf32, #tpu.memory_space<hbm>>) target(%arg16 : memref<16xf32, #tpu.memory_space<vmem>>) target_semaphore(%run_scoped3A : memref<!tpu.dma_semaphore, #tpu.memory_space<semaphore_mem>>)
      tpu.wait_dma2 semaphore(%run_scoped3A : memref<!tpu.dma_semaphore, #tpu.memory_space<semaphore_mem>>) src(%arg8 : memref<16xf32, #tpu.memory_space<hbm>>) dst(%arg16 : memref<16xf32, #tpu.memory_space<vmem>>)
      tpu.yield
    }) : () -> ()
    %dma_start3A = arith.constant 0 : i32
    %dma_start3A_3 = arith.constant 0 : i32
    %dma_start3A_4 = arith.constant 0 : i32
    %dma_start3A_5 = tpu.memref_slice %arg13[%dma_start3A_3, %dma_start3A_4] : memref<512x32xf32, #tpu.memory_space<vmem>> -> memref<128x32xf32, #tpu.memory_space<vmem>>
    %dma_start3A_6 = arith.constant 0 : i32
    %dma_start3A_7 = tpu.memref_slice %arg10[%dma_start3A, %dma_start3A_6] : memref<4x128xi32, #tpu.memory_space<vmem>> -> memref<1x128xi32, #tpu.memory_space<vmem>>
    %dma_start3A_8 = tpu.memref_squeeze %dma_start3A_7 : memref<1x128xi32, #tpu.memory_space<vmem>> -> memref<128xi32, #tpu.memory_space<vmem>>
    %dma_start3A_9 = arith.constant 0 : i32
    %dma_start3A_10 = arith.constant 0 : i32
    %dma_start3A_11 = tpu.memref_slice %arg5[%dma_start3A_9, %dma_start3A_10] : memref<1000000x32xf32, #tpu.memory_space<hbm>> -> memref<1000000x32xf32, #tpu.memory_space<hbm>>
    tpu.enqueue_indirect_dma source(%dma_start3A_11 : memref<1000000x32xf32, #tpu.memory_space<hbm>>) target(%dma_start3A_5 : memref<128x32xf32, #tpu.memory_space<vmem>>) offsets(%dma_start3A_8 : memref<128xi32, #tpu.memory_space<vmem>>) semaphore(%arg18 : memref<!tpu.dma_semaphore, #tpu.memory_space<semaphore_mem>>)
    %dma_start3A_12 = arith.constant 0 : i32
    %dma_start3A_13 = arith.constant 0 : i32
    %dma_start3A_14 = arith.constant 0 : i32
    %dma_start3A_15 = tpu.memref_slice %arg14[%dma_start3A_13, %dma_start3A_14] : memref<512x32xf32, #tpu.memory_space<vmem>> -> memref<128x32xf32, #tpu.memory_space<vmem>>
    %dma_start3A_16 = arith.constant 0 : i32
    %dma_start3A_17 = tpu.memref_slice %arg11[%dma_start3A_12, %dma_start3A_16] : memref<4x128xi32, #tpu.memory_space<vmem>> -> memref<1x128xi32, #tpu.memory_space<vmem>>
    %dma_start3A_18 = tpu.memref_squeeze %dma_start3A_17 : memref<1x128xi32, #tpu.memory_space<vmem>> -> memref<128xi32, #tpu.memory_space<vmem>>
    %dma_start3A_19 = arith.constant 0 : i32
    %dma_start3A_20 = arith.constant 0 : i32
    %dma_start3A_21 = tpu.memref_slice %arg6[%dma_start3A_19, %dma_start3A_20] : memref<100000x32xf32, #tpu.memory_space<hbm>> -> memref<100000x32xf32, #tpu.memory_space<hbm>>
    tpu.enqueue_indirect_dma source(%dma_start3A_21 : memref<100000x32xf32, #tpu.memory_space<hbm>>) target(%dma_start3A_15 : memref<128x32xf32, #tpu.memory_space<vmem>>) offsets(%dma_start3A_18 : memref<128xi32, #tpu.memory_space<vmem>>) semaphore(%arg18 : memref<!tpu.dma_semaphore, #tpu.memory_space<semaphore_mem>>)
    %dma_start3A_22 = arith.constant 0 : i32
    %dma_start3A_23 = arith.constant 0 : i32
    %dma_start3A_24 = tpu.memref_slice %arg15[%dma_start3A_23] : memref<512xf32, #tpu.memory_space<vmem>> -> memref<128xf32, #tpu.memory_space<vmem>>
    %dma_start3A_25 = arith.constant 0 : i32
    %dma_start3A_26 = tpu.memref_slice %arg10[%dma_start3A_22, %dma_start3A_25] : memref<4x128xi32, #tpu.memory_space<vmem>> -> memref<1x128xi32, #tpu.memory_space<vmem>>
    %dma_start3A_27 = tpu.memref_squeeze %dma_start3A_26 : memref<1x128xi32, #tpu.memory_space<vmem>> -> memref<128xi32, #tpu.memory_space<vmem>>
    %dma_start3A_28 = arith.constant 0 : i32
    %dma_start3A_29 = tpu.memref_slice %arg7[%dma_start3A_28] : memref<1000000xf32, #tpu.memory_space<hbm>> -> memref<1000000xf32, #tpu.memory_space<hbm>>
    tpu.enqueue_indirect_dma source(%dma_start3A_29 : memref<1000000xf32, #tpu.memory_space<hbm>>) target(%dma_start3A_24 : memref<128xf32, #tpu.memory_space<vmem>>) offsets(%dma_start3A_27 : memref<128xi32, #tpu.memory_space<vmem>>) semaphore(%arg19 : memref<!tpu.dma_semaphore, #tpu.memory_space<semaphore_mem>>)
    %dma_start3A_30 = arith.constant 1 : i32
    %dma_start3A_31 = arith.constant 128 : i32
    %dma_start3A_32 = arith.constant 0 : i32
    %dma_start3A_33 = tpu.memref_slice %arg13[%dma_start3A_31, %dma_start3A_32] : memref<512x32xf32, #tpu.memory_space<vmem>> -> memref<128x32xf32, #tpu.memory_space<vmem>>
    %dma_start3A_34 = arith.constant 0 : i32
    %dma_start3A_35 = tpu.memref_slice %arg10[%dma_start3A_30, %dma_start3A_34] : memref<4x128xi32, #tpu.memory_space<vmem>> -> memref<1x128xi32, #tpu.memory_space<vmem>>
    %dma_start3A_36 = tpu.memref_squeeze %dma_start3A_35 : memref<1x128xi32, #tpu.memory_space<vmem>> -> memref<128xi32, #tpu.memory_space<vmem>>
    %dma_start3A_37 = arith.constant 0 : i32
    %dma_start3A_38 = arith.constant 0 : i32
    %dma_start3A_39 = tpu.memref_slice %arg5[%dma_start3A_37, %dma_start3A_38] : memref<1000000x32xf32, #tpu.memory_space<hbm>> -> memref<1000000x32xf32, #tpu.memory_space<hbm>>
    tpu.enqueue_indirect_dma source(%dma_start3A_39 : memref<1000000x32xf32, #tpu.memory_space<hbm>>) target(%dma_start3A_33 : memref<128x32xf32, #tpu.memory_space<vmem>>) offsets(%dma_start3A_36 : memref<128xi32, #tpu.memory_space<vmem>>) semaphore(%arg18 : memref<!tpu.dma_semaphore, #tpu.memory_space<semaphore_mem>>)
    %dma_start3A_40 = arith.constant 1 : i32
    %dma_start3A_41 = arith.constant 128 : i32
    %dma_start3A_42 = arith.constant 0 : i32
    %dma_start3A_43 = tpu.memref_slice %arg14[%dma_start3A_41, %dma_start3A_42] : memref<512x32xf32, #tpu.memory_space<vmem>> -> memref<128x32xf32, #tpu.memory_space<vmem>>
    %dma_start3A_44 = arith.constant 0 : i32
    %dma_start3A_45 = tpu.memref_slice %arg11[%dma_start3A_40, %dma_start3A_44] : memref<4x128xi32, #tpu.memory_space<vmem>> -> memref<1x128xi32, #tpu.memory_space<vmem>>
    %dma_start3A_46 = tpu.memref_squeeze %dma_start3A_45 : memref<1x128xi32, #tpu.memory_space<vmem>> -> memref<128xi32, #tpu.memory_space<vmem>>
    %dma_start3A_47 = arith.constant 0 : i32
    %dma_start3A_48 = arith.constant 0 : i32
    %dma_start3A_49 = tpu.memref_slice %arg6[%dma_start3A_47, %dma_start3A_48] : memref<100000x32xf32, #tpu.memory_space<hbm>> -> memref<100000x32xf32, #tpu.memory_space<hbm>>
    tpu.enqueue_indirect_dma source(%dma_start3A_49 : memref<100000x32xf32, #tpu.memory_space<hbm>>) target(%dma_start3A_43 : memref<128x32xf32, #tpu.memory_space<vmem>>) offsets(%dma_start3A_46 : memref<128xi32, #tpu.memory_space<vmem>>) semaphore(%arg18 : memref<!tpu.dma_semaphore, #tpu.memory_space<semaphore_mem>>)
    %dma_start3A_50 = arith.constant 1 : i32
    %dma_start3A_51 = arith.constant 128 : i32
    %dma_start3A_52 = tpu.memref_slice %arg15[%dma_start3A_51] : memref<512xf32, #tpu.memory_space<vmem>> -> memref<128xf32, #tpu.memory_space<vmem>>
    %dma_start3A_53 = arith.constant 0 : i32
    %dma_start3A_54 = tpu.memref_slice %arg10[%dma_start3A_50, %dma_start3A_53] : memref<4x128xi32, #tpu.memory_space<vmem>> -> memref<1x128xi32, #tpu.memory_space<vmem>>
    %dma_start3A_55 = tpu.memref_squeeze %dma_start3A_54 : memref<1x128xi32, #tpu.memory_space<vmem>> -> memref<128xi32, #tpu.memory_space<vmem>>
    %dma_start3A_56 = arith.constant 0 : i32
    %dma_start3A_57 = tpu.memref_slice %arg7[%dma_start3A_56] : memref<1000000xf32, #tpu.memory_space<hbm>> -> memref<1000000xf32, #tpu.memory_space<hbm>>
    tpu.enqueue_indirect_dma source(%dma_start3A_57 : memref<1000000xf32, #tpu.memory_space<hbm>>) target(%dma_start3A_52 : memref<128xf32, #tpu.memory_space<vmem>>) offsets(%dma_start3A_55 : memref<128xi32, #tpu.memory_space<vmem>>) semaphore(%arg19 : memref<!tpu.dma_semaphore, #tpu.memory_space<semaphore_mem>>)
    %dma_start3A_58 = arith.constant 2 : i32
    %dma_start3A_59 = arith.constant 256 : i32
    %dma_start3A_60 = arith.constant 0 : i32
    %dma_start3A_61 = tpu.memref_slice %arg13[%dma_start3A_59, %dma_start3A_60] : memref<512x32xf32, #tpu.memory_space<vmem>> -> memref<128x32xf32, #tpu.memory_space<vmem>>
    %dma_start3A_62 = arith.constant 0 : i32
    %dma_start3A_63 = tpu.memref_slice %arg10[%dma_start3A_58, %dma_start3A_62] : memref<4x128xi32, #tpu.memory_space<vmem>> -> memref<1x128xi32, #tpu.memory_space<vmem>>
    %dma_start3A_64 = tpu.memref_squeeze %dma_start3A_63 : memref<1x128xi32, #tpu.memory_space<vmem>> -> memref<128xi32, #tpu.memory_space<vmem>>
    %dma_start3A_65 = arith.constant 0 : i32
    %dma_start3A_66 = arith.constant 0 : i32
    %dma_start3A_67 = tpu.memref_slice %arg5[%dma_start3A_65, %dma_start3A_66] : memref<1000000x32xf32, #tpu.memory_space<hbm>> -> memref<1000000x32xf32, #tpu.memory_space<hbm>>
    tpu.enqueue_indirect_dma source(%dma_start3A_67 : memref<1000000x32xf32, #tpu.memory_space<hbm>>) target(%dma_start3A_61 : memref<128x32xf32, #tpu.memory_space<vmem>>) offsets(%dma_start3A_64 : memref<128xi32, #tpu.memory_space<vmem>>) semaphore(%arg18 : memref<!tpu.dma_semaphore, #tpu.memory_space<semaphore_mem>>)
    %dma_start3A_68 = arith.constant 2 : i32
    %dma_start3A_69 = arith.constant 256 : i32
    %dma_start3A_70 = arith.constant 0 : i32
    %dma_start3A_71 = tpu.memref_slice %arg14[%dma_start3A_69, %dma_start3A_70] : memref<512x32xf32, #tpu.memory_space<vmem>> -> memref<128x32xf32, #tpu.memory_space<vmem>>
    %dma_start3A_72 = arith.constant 0 : i32
    %dma_start3A_73 = tpu.memref_slice %arg11[%dma_start3A_68, %dma_start3A_72] : memref<4x128xi32, #tpu.memory_space<vmem>> -> memref<1x128xi32, #tpu.memory_space<vmem>>
    %dma_start3A_74 = tpu.memref_squeeze %dma_start3A_73 : memref<1x128xi32, #tpu.memory_space<vmem>> -> memref<128xi32, #tpu.memory_space<vmem>>
    %dma_start3A_75 = arith.constant 0 : i32
    %dma_start3A_76 = arith.constant 0 : i32
    %dma_start3A_77 = tpu.memref_slice %arg6[%dma_start3A_75, %dma_start3A_76] : memref<100000x32xf32, #tpu.memory_space<hbm>> -> memref<100000x32xf32, #tpu.memory_space<hbm>>
    tpu.enqueue_indirect_dma source(%dma_start3A_77 : memref<100000x32xf32, #tpu.memory_space<hbm>>) target(%dma_start3A_71 : memref<128x32xf32, #tpu.memory_space<vmem>>) offsets(%dma_start3A_74 : memref<128xi32, #tpu.memory_space<vmem>>) semaphore(%arg18 : memref<!tpu.dma_semaphore, #tpu.memory_space<semaphore_mem>>)
    %dma_start3A_78 = arith.constant 2 : i32
    %dma_start3A_79 = arith.constant 256 : i32
    %dma_start3A_80 = tpu.memref_slice %arg15[%dma_start3A_79] : memref<512xf32, #tpu.memory_space<vmem>> -> memref<128xf32, #tpu.memory_space<vmem>>
    %dma_start3A_81 = arith.constant 0 : i32
    %dma_start3A_82 = tpu.memref_slice %arg10[%dma_start3A_78, %dma_start3A_81] : memref<4x128xi32, #tpu.memory_space<vmem>> -> memref<1x128xi32, #tpu.memory_space<vmem>>
    %dma_start3A_83 = tpu.memref_squeeze %dma_start3A_82 : memref<1x128xi32, #tpu.memory_space<vmem>> -> memref<128xi32, #tpu.memory_space<vmem>>
    %dma_start3A_84 = arith.constant 0 : i32
    %dma_start3A_85 = tpu.memref_slice %arg7[%dma_start3A_84] : memref<1000000xf32, #tpu.memory_space<hbm>> -> memref<1000000xf32, #tpu.memory_space<hbm>>
    tpu.enqueue_indirect_dma source(%dma_start3A_85 : memref<1000000xf32, #tpu.memory_space<hbm>>) target(%dma_start3A_80 : memref<128xf32, #tpu.memory_space<vmem>>) offsets(%dma_start3A_83 : memref<128xi32, #tpu.memory_space<vmem>>) semaphore(%arg19 : memref<!tpu.dma_semaphore, #tpu.memory_space<semaphore_mem>>)
    %dma_start3A_86 = arith.constant 3 : i32
    %dma_start3A_87 = arith.constant 384 : i32
    %dma_start3A_88 = arith.constant 0 : i32
    %dma_start3A_89 = tpu.memref_slice %arg13[%dma_start3A_87, %dma_start3A_88] : memref<512x32xf32, #tpu.memory_space<vmem>> -> memref<128x32xf32, #tpu.memory_space<vmem>>
    %dma_start3A_90 = arith.constant 0 : i32
    %dma_start3A_91 = tpu.memref_slice %arg10[%dma_start3A_86, %dma_start3A_90] : memref<4x128xi32, #tpu.memory_space<vmem>> -> memref<1x128xi32, #tpu.memory_space<vmem>>
    %dma_start3A_92 = tpu.memref_squeeze %dma_start3A_91 : memref<1x128xi32, #tpu.memory_space<vmem>> -> memref<128xi32, #tpu.memory_space<vmem>>
    %dma_start3A_93 = arith.constant 0 : i32
    %dma_start3A_94 = arith.constant 0 : i32
    %dma_start3A_95 = tpu.memref_slice %arg5[%dma_start3A_93, %dma_start3A_94] : memref<1000000x32xf32, #tpu.memory_space<hbm>> -> memref<1000000x32xf32, #tpu.memory_space<hbm>>
    tpu.enqueue_indirect_dma source(%dma_start3A_95 : memref<1000000x32xf32, #tpu.memory_space<hbm>>) target(%dma_start3A_89 : memref<128x32xf32, #tpu.memory_space<vmem>>) offsets(%dma_start3A_92 : memref<128xi32, #tpu.memory_space<vmem>>) semaphore(%arg18 : memref<!tpu.dma_semaphore, #tpu.memory_space<semaphore_mem>>)
    %dma_start3A_96 = arith.constant 3 : i32
    %dma_start3A_97 = arith.constant 384 : i32
    %dma_start3A_98 = arith.constant 0 : i32
    %dma_start3A_99 = tpu.memref_slice %arg14[%dma_start3A_97, %dma_start3A_98] : memref<512x32xf32, #tpu.memory_space<vmem>> -> memref<128x32xf32, #tpu.memory_space<vmem>>
    %dma_start3A_100 = arith.constant 0 : i32
    %dma_start3A_101 = tpu.memref_slice %arg11[%dma_start3A_96, %dma_start3A_100] : memref<4x128xi32, #tpu.memory_space<vmem>> -> memref<1x128xi32, #tpu.memory_space<vmem>>
    %dma_start3A_102 = tpu.memref_squeeze %dma_start3A_101 : memref<1x128xi32, #tpu.memory_space<vmem>> -> memref<128xi32, #tpu.memory_space<vmem>>
    %dma_start3A_103 = arith.constant 0 : i32
    %dma_start3A_104 = arith.constant 0 : i32
    %dma_start3A_105 = tpu.memref_slice %arg6[%dma_start3A_103, %dma_start3A_104] : memref<100000x32xf32, #tpu.memory_space<hbm>> -> memref<100000x32xf32, #tpu.memory_space<hbm>>
    tpu.enqueue_indirect_dma source(%dma_start3A_105 : memref<100000x32xf32, #tpu.memory_space<hbm>>) target(%dma_start3A_99 : memref<128x32xf32, #tpu.memory_space<vmem>>) offsets(%dma_start3A_102 : memref<128xi32, #tpu.memory_space<vmem>>) semaphore(%arg18 : memref<!tpu.dma_semaphore, #tpu.memory_space<semaphore_mem>>)
    %dma_start3A_106 = arith.constant 3 : i32
    %dma_start3A_107 = arith.constant 384 : i32
    %dma_start3A_108 = tpu.memref_slice %arg15[%dma_start3A_107] : memref<512xf32, #tpu.memory_space<vmem>> -> memref<128xf32, #tpu.memory_space<vmem>>
    %dma_start3A_109 = arith.constant 0 : i32
    %dma_start3A_110 = tpu.memref_slice %arg10[%dma_start3A_106, %dma_start3A_109] : memref<4x128xi32, #tpu.memory_space<vmem>> -> memref<1x128xi32, #tpu.memory_space<vmem>>
    %dma_start3A_111 = tpu.memref_squeeze %dma_start3A_110 : memref<1x128xi32, #tpu.memory_space<vmem>> -> memref<128xi32, #tpu.memory_space<vmem>>
    %dma_start3A_112 = arith.constant 0 : i32
    %dma_start3A_113 = tpu.memref_slice %arg7[%dma_start3A_112] : memref<1000000xf32, #tpu.memory_space<hbm>> -> memref<1000000xf32, #tpu.memory_space<hbm>>
    tpu.enqueue_indirect_dma source(%dma_start3A_113 : memref<1000000xf32, #tpu.memory_space<hbm>>) target(%dma_start3A_108 : memref<128xf32, #tpu.memory_space<vmem>>) offsets(%dma_start3A_111 : memref<128xi32, #tpu.memory_space<vmem>>) semaphore(%arg19 : memref<!tpu.dma_semaphore, #tpu.memory_space<semaphore_mem>>)
    %dma_wait3A = arith.constant 0 : i32
    %dma_wait3A_114 = arith.constant 0 : i32
    %dma_wait3A_115 = arith.constant 0 : i32
    %dma_wait3A_116 = tpu.memref_slice %arg13[%dma_wait3A_114, %dma_wait3A_115] : memref<512x32xf32, #tpu.memory_space<vmem>> -> memref<128x32xf32, #tpu.memory_space<vmem>>
    %dma_wait3A_117 = arith.constant 0 : i32
    %dma_wait3A_118 = tpu.memref_slice %arg10[%dma_wait3A, %dma_wait3A_117] : memref<4x128xi32, #tpu.memory_space<vmem>> -> memref<1x128xi32, #tpu.memory_space<vmem>>
    %dma_wait3A_119 = tpu.memref_squeeze %dma_wait3A_118 : memref<1x128xi32, #tpu.memory_space<vmem>> -> memref<128xi32, #tpu.memory_space<vmem>>
    %dma_wait3A_120 = arith.constant 0 : i32
    %dma_wait3A_121 = arith.constant 0 : i32
    %dma_wait3A_122 = tpu.memref_slice %arg5[%dma_wait3A_120, %dma_wait3A_121] : memref<1000000x32xf32, #tpu.memory_space<hbm>> -> memref<1000000x32xf32, #tpu.memory_space<hbm>>
    tpu.wait_indirect_dma semaphore(%arg18 : memref<!tpu.dma_semaphore, #tpu.memory_space<semaphore_mem>>) src(%dma_wait3A_122 : memref<1000000x32xf32, #tpu.memory_space<hbm>>) dst(%dma_wait3A_116 : memref<128x32xf32, #tpu.memory_space<vmem>>)
    %dma_wait3A_123 = arith.constant 0 : i32
    %dma_wait3A_124 = arith.constant 0 : i32
    %dma_wait3A_125 = arith.constant 0 : i32
    %dma_wait3A_126 = tpu.memref_slice %arg14[%dma_wait3A_124, %dma_wait3A_125] : memref<512x32xf32, #tpu.memory_space<vmem>> -> memref<128x32xf32, #tpu.memory_space<vmem>>
    %dma_wait3A_127 = arith.constant 0 : i32
    %dma_wait3A_128 = tpu.memref_slice %arg11[%dma_wait3A_123, %dma_wait3A_127] : memref<4x128xi32, #tpu.memory_space<vmem>> -> memref<1x128xi32, #tpu.memory_space<vmem>>
    %dma_wait3A_129 = tpu.memref_squeeze %dma_wait3A_128 : memref<1x128xi32, #tpu.memory_space<vmem>> -> memref<128xi32, #tpu.memory_space<vmem>>
    %dma_wait3A_130 = arith.constant 0 : i32
    %dma_wait3A_131 = arith.constant 0 : i32
    %dma_wait3A_132 = tpu.memref_slice %arg6[%dma_wait3A_130, %dma_wait3A_131] : memref<100000x32xf32, #tpu.memory_space<hbm>> -> memref<100000x32xf32, #tpu.memory_space<hbm>>
    tpu.wait_indirect_dma semaphore(%arg18 : memref<!tpu.dma_semaphore, #tpu.memory_space<semaphore_mem>>) src(%dma_wait3A_132 : memref<100000x32xf32, #tpu.memory_space<hbm>>) dst(%dma_wait3A_126 : memref<128x32xf32, #tpu.memory_space<vmem>>)
    %dma_wait3A_133 = arith.constant 0 : i32
    %dma_wait3A_134 = arith.constant 0 : i32
    %dma_wait3A_135 = tpu.memref_slice %arg15[%dma_wait3A_134] : memref<512xf32, #tpu.memory_space<vmem>> -> memref<128xf32, #tpu.memory_space<vmem>>
    %dma_wait3A_136 = arith.constant 0 : i32
    %dma_wait3A_137 = tpu.memref_slice %arg10[%dma_wait3A_133, %dma_wait3A_136] : memref<4x128xi32, #tpu.memory_space<vmem>> -> memref<1x128xi32, #tpu.memory_space<vmem>>
    %dma_wait3A_138 = tpu.memref_squeeze %dma_wait3A_137 : memref<1x128xi32, #tpu.memory_space<vmem>> -> memref<128xi32, #tpu.memory_space<vmem>>
    %dma_wait3A_139 = arith.constant 0 : i32
    %dma_wait3A_140 = tpu.memref_slice %arg7[%dma_wait3A_139] : memref<1000000xf32, #tpu.memory_space<hbm>> -> memref<1000000xf32, #tpu.memory_space<hbm>>
    tpu.wait_indirect_dma semaphore(%arg19 : memref<!tpu.dma_semaphore, #tpu.memory_space<semaphore_mem>>) src(%dma_wait3A_140 : memref<1000000xf32, #tpu.memory_space<hbm>>) dst(%dma_wait3A_135 : memref<128xf32, #tpu.memory_space<vmem>>)
    %dma_wait3A_141 = arith.constant 1 : i32
    %dma_wait3A_142 = arith.constant 128 : i32
    %dma_wait3A_143 = arith.constant 0 : i32
    %dma_wait3A_144 = tpu.memref_slice %arg13[%dma_wait3A_142, %dma_wait3A_143] : memref<512x32xf32, #tpu.memory_space<vmem>> -> memref<128x32xf32, #tpu.memory_space<vmem>>
    %dma_wait3A_145 = arith.constant 0 : i32
    %dma_wait3A_146 = tpu.memref_slice %arg10[%dma_wait3A_141, %dma_wait3A_145] : memref<4x128xi32, #tpu.memory_space<vmem>> -> memref<1x128xi32, #tpu.memory_space<vmem>>
    %dma_wait3A_147 = tpu.memref_squeeze %dma_wait3A_146 : memref<1x128xi32, #tpu.memory_space<vmem>> -> memref<128xi32, #tpu.memory_space<vmem>>
    %dma_wait3A_148 = arith.constant 0 : i32
    %dma_wait3A_149 = arith.constant 0 : i32
    %dma_wait3A_150 = tpu.memref_slice %arg5[%dma_wait3A_148, %dma_wait3A_149] : memref<1000000x32xf32, #tpu.memory_space<hbm>> -> memref<1000000x32xf32, #tpu.memory_space<hbm>>
    tpu.wait_indirect_dma semaphore(%arg18 : memref<!tpu.dma_semaphore, #tpu.memory_space<semaphore_mem>>) src(%dma_wait3A_150 : memref<1000000x32xf32, #tpu.memory_space<hbm>>) dst(%dma_wait3A_144 : memref<128x32xf32, #tpu.memory_space<vmem>>)
    %dma_wait3A_151 = arith.constant 1 : i32
    %dma_wait3A_152 = arith.constant 128 : i32
    %dma_wait3A_153 = arith.constant 0 : i32
    %dma_wait3A_154 = tpu.memref_slice %arg14[%dma_wait3A_152, %dma_wait3A_153] : memref<512x32xf32, #tpu.memory_space<vmem>> -> memref<128x32xf32, #tpu.memory_space<vmem>>
    %dma_wait3A_155 = arith.constant 0 : i32
    %dma_wait3A_156 = tpu.memref_slice %arg11[%dma_wait3A_151, %dma_wait3A_155] : memref<4x128xi32, #tpu.memory_space<vmem>> -> memref<1x128xi32, #tpu.memory_space<vmem>>
    %dma_wait3A_157 = tpu.memref_squeeze %dma_wait3A_156 : memref<1x128xi32, #tpu.memory_space<vmem>> -> memref<128xi32, #tpu.memory_space<vmem>>
    %dma_wait3A_158 = arith.constant 0 : i32
    %dma_wait3A_159 = arith.constant 0 : i32
    %dma_wait3A_160 = tpu.memref_slice %arg6[%dma_wait3A_158, %dma_wait3A_159] : memref<100000x32xf32, #tpu.memory_space<hbm>> -> memref<100000x32xf32, #tpu.memory_space<hbm>>
    tpu.wait_indirect_dma semaphore(%arg18 : memref<!tpu.dma_semaphore, #tpu.memory_space<semaphore_mem>>) src(%dma_wait3A_160 : memref<100000x32xf32, #tpu.memory_space<hbm>>) dst(%dma_wait3A_154 : memref<128x32xf32, #tpu.memory_space<vmem>>)
    %dma_wait3A_161 = arith.constant 1 : i32
    %dma_wait3A_162 = arith.constant 128 : i32
    %dma_wait3A_163 = tpu.memref_slice %arg15[%dma_wait3A_162] : memref<512xf32, #tpu.memory_space<vmem>> -> memref<128xf32, #tpu.memory_space<vmem>>
    %dma_wait3A_164 = arith.constant 0 : i32
    %dma_wait3A_165 = tpu.memref_slice %arg10[%dma_wait3A_161, %dma_wait3A_164] : memref<4x128xi32, #tpu.memory_space<vmem>> -> memref<1x128xi32, #tpu.memory_space<vmem>>
    %dma_wait3A_166 = tpu.memref_squeeze %dma_wait3A_165 : memref<1x128xi32, #tpu.memory_space<vmem>> -> memref<128xi32, #tpu.memory_space<vmem>>
    %dma_wait3A_167 = arith.constant 0 : i32
    %dma_wait3A_168 = tpu.memref_slice %arg7[%dma_wait3A_167] : memref<1000000xf32, #tpu.memory_space<hbm>> -> memref<1000000xf32, #tpu.memory_space<hbm>>
    tpu.wait_indirect_dma semaphore(%arg19 : memref<!tpu.dma_semaphore, #tpu.memory_space<semaphore_mem>>) src(%dma_wait3A_168 : memref<1000000xf32, #tpu.memory_space<hbm>>) dst(%dma_wait3A_163 : memref<128xf32, #tpu.memory_space<vmem>>)
    %dma_wait3A_169 = arith.constant 2 : i32
    %dma_wait3A_170 = arith.constant 256 : i32
    %dma_wait3A_171 = arith.constant 0 : i32
    %dma_wait3A_172 = tpu.memref_slice %arg13[%dma_wait3A_170, %dma_wait3A_171] : memref<512x32xf32, #tpu.memory_space<vmem>> -> memref<128x32xf32, #tpu.memory_space<vmem>>
    %dma_wait3A_173 = arith.constant 0 : i32
    %dma_wait3A_174 = tpu.memref_slice %arg10[%dma_wait3A_169, %dma_wait3A_173] : memref<4x128xi32, #tpu.memory_space<vmem>> -> memref<1x128xi32, #tpu.memory_space<vmem>>
    %dma_wait3A_175 = tpu.memref_squeeze %dma_wait3A_174 : memref<1x128xi32, #tpu.memory_space<vmem>> -> memref<128xi32, #tpu.memory_space<vmem>>
    %dma_wait3A_176 = arith.constant 0 : i32
    %dma_wait3A_177 = arith.constant 0 : i32
    %dma_wait3A_178 = tpu.memref_slice %arg5[%dma_wait3A_176, %dma_wait3A_177] : memref<1000000x32xf32, #tpu.memory_space<hbm>> -> memref<1000000x32xf32, #tpu.memory_space<hbm>>
    tpu.wait_indirect_dma semaphore(%arg18 : memref<!tpu.dma_semaphore, #tpu.memory_space<semaphore_mem>>) src(%dma_wait3A_178 : memref<1000000x32xf32, #tpu.memory_space<hbm>>) dst(%dma_wait3A_172 : memref<128x32xf32, #tpu.memory_space<vmem>>)
    %dma_wait3A_179 = arith.constant 2 : i32
    %dma_wait3A_180 = arith.constant 256 : i32
    %dma_wait3A_181 = arith.constant 0 : i32
    %dma_wait3A_182 = tpu.memref_slice %arg14[%dma_wait3A_180, %dma_wait3A_181] : memref<512x32xf32, #tpu.memory_space<vmem>> -> memref<128x32xf32, #tpu.memory_space<vmem>>
    %dma_wait3A_183 = arith.constant 0 : i32
    %dma_wait3A_184 = tpu.memref_slice %arg11[%dma_wait3A_179, %dma_wait3A_183] : memref<4x128xi32, #tpu.memory_space<vmem>> -> memref<1x128xi32, #tpu.memory_space<vmem>>
    %dma_wait3A_185 = tpu.memref_squeeze %dma_wait3A_184 : memref<1x128xi32, #tpu.memory_space<vmem>> -> memref<128xi32, #tpu.memory_space<vmem>>
    %dma_wait3A_186 = arith.constant 0 : i32
    %dma_wait3A_187 = arith.constant 0 : i32
    %dma_wait3A_188 = tpu.memref_slice %arg6[%dma_wait3A_186, %dma_wait3A_187] : memref<100000x32xf32, #tpu.memory_space<hbm>> -> memref<100000x32xf32, #tpu.memory_space<hbm>>
    tpu.wait_indirect_dma semaphore(%arg18 : memref<!tpu.dma_semaphore, #tpu.memory_space<semaphore_mem>>) src(%dma_wait3A_188 : memref<100000x32xf32, #tpu.memory_space<hbm>>) dst(%dma_wait3A_182 : memref<128x32xf32, #tpu.memory_space<vmem>>)
    %dma_wait3A_189 = arith.constant 2 : i32
    %dma_wait3A_190 = arith.constant 256 : i32
    %dma_wait3A_191 = tpu.memref_slice %arg15[%dma_wait3A_190] : memref<512xf32, #tpu.memory_space<vmem>> -> memref<128xf32, #tpu.memory_space<vmem>>
    %dma_wait3A_192 = arith.constant 0 : i32
    %dma_wait3A_193 = tpu.memref_slice %arg10[%dma_wait3A_189, %dma_wait3A_192] : memref<4x128xi32, #tpu.memory_space<vmem>> -> memref<1x128xi32, #tpu.memory_space<vmem>>
    %dma_wait3A_194 = tpu.memref_squeeze %dma_wait3A_193 : memref<1x128xi32, #tpu.memory_space<vmem>> -> memref<128xi32, #tpu.memory_space<vmem>>
    %dma_wait3A_195 = arith.constant 0 : i32
    %dma_wait3A_196 = tpu.memref_slice %arg7[%dma_wait3A_195] : memref<1000000xf32, #tpu.memory_space<hbm>> -> memref<1000000xf32, #tpu.memory_space<hbm>>
    tpu.wait_indirect_dma semaphore(%arg19 : memref<!tpu.dma_semaphore, #tpu.memory_space<semaphore_mem>>) src(%dma_wait3A_196 : memref<1000000xf32, #tpu.memory_space<hbm>>) dst(%dma_wait3A_191 : memref<128xf32, #tpu.memory_space<vmem>>)
    %dma_wait3A_197 = arith.constant 3 : i32
    %dma_wait3A_198 = arith.constant 384 : i32
    %dma_wait3A_199 = arith.constant 0 : i32
    %dma_wait3A_200 = tpu.memref_slice %arg13[%dma_wait3A_198, %dma_wait3A_199] : memref<512x32xf32, #tpu.memory_space<vmem>> -> memref<128x32xf32, #tpu.memory_space<vmem>>
    %dma_wait3A_201 = arith.constant 0 : i32
    %dma_wait3A_202 = tpu.memref_slice %arg10[%dma_wait3A_197, %dma_wait3A_201] : memref<4x128xi32, #tpu.memory_space<vmem>> -> memref<1x128xi32, #tpu.memory_space<vmem>>
    %dma_wait3A_203 = tpu.memref_squeeze %dma_wait3A_202 : memref<1x128xi32, #tpu.memory_space<vmem>> -> memref<128xi32, #tpu.memory_space<vmem>>
    %dma_wait3A_204 = arith.constant 0 : i32
    %dma_wait3A_205 = arith.constant 0 : i32
    %dma_wait3A_206 = tpu.memref_slice %arg5[%dma_wait3A_204, %dma_wait3A_205] : memref<1000000x32xf32, #tpu.memory_space<hbm>> -> memref<1000000x32xf32, #tpu.memory_space<hbm>>
    tpu.wait_indirect_dma semaphore(%arg18 : memref<!tpu.dma_semaphore, #tpu.memory_space<semaphore_mem>>) src(%dma_wait3A_206 : memref<1000000x32xf32, #tpu.memory_space<hbm>>) dst(%dma_wait3A_200 : memref<128x32xf32, #tpu.memory_space<vmem>>)
    %dma_wait3A_207 = arith.constant 3 : i32
    %dma_wait3A_208 = arith.constant 384 : i32
    %dma_wait3A_209 = arith.constant 0 : i32
    %dma_wait3A_210 = tpu.memref_slice %arg14[%dma_wait3A_208, %dma_wait3A_209] : memref<512x32xf32, #tpu.memory_space<vmem>> -> memref<128x32xf32, #tpu.memory_space<vmem>>
    %dma_wait3A_211 = arith.constant 0 : i32
    %dma_wait3A_212 = tpu.memref_slice %arg11[%dma_wait3A_207, %dma_wait3A_211] : memref<4x128xi32, #tpu.memory_space<vmem>> -> memref<1x128xi32, #tpu.memory_space<vmem>>
    %dma_wait3A_213 = tpu.memref_squeeze %dma_wait3A_212 : memref<1x128xi32, #tpu.memory_space<vmem>> -> memref<128xi32, #tpu.memory_space<vmem>>
    %dma_wait3A_214 = arith.constant 0 : i32
    %dma_wait3A_215 = arith.constant 0 : i32
    %dma_wait3A_216 = tpu.memref_slice %arg6[%dma_wait3A_214, %dma_wait3A_215] : memref<100000x32xf32, #tpu.memory_space<hbm>> -> memref<100000x32xf32, #tpu.memory_space<hbm>>
    tpu.wait_indirect_dma semaphore(%arg18 : memref<!tpu.dma_semaphore, #tpu.memory_space<semaphore_mem>>) src(%dma_wait3A_216 : memref<100000x32xf32, #tpu.memory_space<hbm>>) dst(%dma_wait3A_210 : memref<128x32xf32, #tpu.memory_space<vmem>>)
    %dma_wait3A_217 = arith.constant 3 : i32
    %dma_wait3A_218 = arith.constant 384 : i32
    %dma_wait3A_219 = tpu.memref_slice %arg15[%dma_wait3A_218] : memref<512xf32, #tpu.memory_space<vmem>> -> memref<128xf32, #tpu.memory_space<vmem>>
    %dma_wait3A_220 = arith.constant 0 : i32
    %dma_wait3A_221 = tpu.memref_slice %arg10[%dma_wait3A_217, %dma_wait3A_220] : memref<4x128xi32, #tpu.memory_space<vmem>> -> memref<1x128xi32, #tpu.memory_space<vmem>>
    %dma_wait3A_222 = tpu.memref_squeeze %dma_wait3A_221 : memref<1x128xi32, #tpu.memory_space<vmem>> -> memref<128xi32, #tpu.memory_space<vmem>>
    %dma_wait3A_223 = arith.constant 0 : i32
    %dma_wait3A_224 = tpu.memref_slice %arg7[%dma_wait3A_223] : memref<1000000xf32, #tpu.memory_space<hbm>> -> memref<1000000xf32, #tpu.memory_space<hbm>>
    tpu.wait_indirect_dma semaphore(%arg19 : memref<!tpu.dma_semaphore, #tpu.memory_space<semaphore_mem>>) src(%dma_wait3A_224 : memref<1000000xf32, #tpu.memory_space<hbm>>) dst(%dma_wait3A_219 : memref<128xf32, #tpu.memory_space<vmem>>)
    %iota3A = tpu.iota {dimensions = array<i32: 0>} : vector<16xi32>
    %get3A = arith.constant 0 : index
    %get3A_225 = tpu.vector_load %arg16[%get3A] {strides = array<i32>} : memref<16xf32, #tpu.memory_space<vmem>>, vector<16xf32>,
    %scan3A = arith.constant 0 : i32
    %scan3A_226 = arith.constant 32 : i32
    %scan3A_227 = arith.addi %scan3A, %scan3A_226 : i32
    %scan3A_228 = arith.constant 1 : i32
    scf.for %scan3A_230 = %scan3A to %scan3A_227 step %scan3A_228  : i32 {
      %mul3A_231 = arith.constant 16 : i32
      %mul3A_232 = arith.muli %scan3A_230, %mul3A_231 : i32
      %add3A_233 = vector.broadcast %mul3A_232 : i32 to vector<16xi32>
      %add3A_234 = arith.addi %add3A_233, %iota3A : vector<16xi32>
      %mul3A_235 = arith.constant 16 : i32
      %mul3A_236 = arith.muli %scan3A_230, %mul3A_235 : i32
      %get3A_237 = arith.index_cast %mul3A_236 : i32 to index
      %get3A_238 = tpu.vector_load %arg15[%get3A_237] {strides = array<i32>} : memref<512xf32, #tpu.memory_space<vmem>>, vector<16xf32>,
      %mul3A_239 = arith.constant 16 : i32
      %mul3A_240 = arith.muli %scan3A_230, %mul3A_239 : i32
      %get3A_241 = arith.index_cast %mul3A_240 : i32 to index
      %get3A_242 = tpu.vector_load %arg12[%get3A_241] {strides = array<i32>} : memref<512xf32, #tpu.memory_space<vmem>>, vector<16xf32>,
      %mul3A_243 = arith.mulf %get3A_238, %get3A_242 : vector<16xf32>
      %add3A_244 = arith.addf %mul3A_243, %get3A_225 : vector<16xf32>
      %broadcast_in_dim3A = arith.constant 0 : i32
      %broadcast_in_dim3A_245 = vector.broadcast %broadcast_in_dim3A : i32 to vector<16xi32>
      %gather3A = tpu.vector_load_idx %arg13[%add3A_234, %broadcast_in_dim3A_245] : memref<512x32xf32, #tpu.memory_space<vmem>>[vector<16xi32>, vector<16xi32>], vector<16xf32>,
      %gather3A_246 = tpu.vector_load_idx %arg14[%add3A_234, %broadcast_in_dim3A_245] : memref<512x32xf32, #tpu.memory_space<vmem>>[vector<16xi32>, vector<16xi32>], vector<16xf32>,
      %mul3A_247 = arith.mulf %gather3A, %gather3A_246 : vector<16xf32>
      %add3A_248 = arith.addf %add3A_244, %mul3A_247 : vector<16xf32>
      %broadcast_in_dim3A_249 = arith.constant 1 : i32
      %broadcast_in_dim3A_250 = vector.broadcast %broadcast_in_dim3A_249 : i32 to vector<16xi32>
      %gather3A_251 = tpu.vector_load_idx %arg13[%add3A_234, %broadcast_in_dim3A_250] : memref<512x32xf32, #tpu.memory_space<vmem>>[vector<16xi32>, vector<16xi32>], vector<16xf32>,
      %gather3A_252 = tpu.vector_load_idx %arg14[%add3A_234, %broadcast_in_dim3A_250] : memref<512x32xf32, #tpu.memory_space<vmem>>[vector<16xi32>, vector<16xi32>], vector<16xf32>,
      %mul3A_253 = arith.mulf %gather3A_251, %gather3A_252 : vector<16xf32>
      %add3A_254 = arith.addf %add3A_248, %mul3A_253 : vector<16xf32>
      %broadcast_in_dim3A_255 = arith.constant 2 : i32
      %broadcast_in_dim3A_256 = vector.broadcast %broadcast_in_dim3A_255 : i32 to vector<16xi32>
      %gather3A_257 = tpu.vector_load_idx %arg13[%add3A_234, %broadcast_in_dim3A_256] : memref<512x32xf32, #tpu.memory_space<vmem>>[vector<16xi32>, vector<16xi32>], vector<16xf32>,
      %gather3A_258 = tpu.vector_load_idx %arg14[%add3A_234, %broadcast_in_dim3A_256] : memref<512x32xf32, #tpu.memory_space<vmem>>[vector<16xi32>, vector<16xi32>], vector<16xf32>,
      %mul3A_259 = arith.mulf %gather3A_257, %gather3A_258 : vector<16xf32>
      %add3A_260 = arith.addf %add3A_254, %mul3A_259 : vector<16xf32>
      %broadcast_in_dim3A_261 = arith.constant 3 : i32
      %broadcast_in_dim3A_262 = vector.broadcast %broadcast_in_dim3A_261 : i32 to vector<16xi32>
      %gather3A_263 = tpu.vector_load_idx %arg13[%add3A_234, %broadcast_in_dim3A_262] : memref<512x32xf32, #tpu.memory_space<vmem>>[vector<16xi32>, vector<16xi32>], vector<16xf32>,
      %gather3A_264 = tpu.vector_load_idx %arg14[%add3A_234, %broadcast_in_dim3A_262] : memref<512x32xf32, #tpu.memory_space<vmem>>[vector<16xi32>, vector<16xi32>], vector<16xf32>,
      %mul3A_265 = arith.mulf %gather3A_263, %gather3A_264 : vector<16xf32>
      %add3A_266 = arith.addf %add3A_260, %mul3A_265 : vector<16xf32>
      %broadcast_in_dim3A_267 = arith.constant 4 : i32
      %broadcast_in_dim3A_268 = vector.broadcast %broadcast_in_dim3A_267 : i32 to vector<16xi32>
      %gather3A_269 = tpu.vector_load_idx %arg13[%add3A_234, %broadcast_in_dim3A_268] : memref<512x32xf32, #tpu.memory_space<vmem>>[vector<16xi32>, vector<16xi32>], vector<16xf32>,
      %gather3A_270 = tpu.vector_load_idx %arg14[%add3A_234, %broadcast_in_dim3A_268] : memref<512x32xf32, #tpu.memory_space<vmem>>[vector<16xi32>, vector<16xi32>], vector<16xf32>,
      %mul3A_271 = arith.mulf %gather3A_269, %gather3A_270 : vector<16xf32>
      %add3A_272 = arith.addf %add3A_266, %mul3A_271 : vector<16xf32>
      %broadcast_in_dim3A_273 = arith.constant 5 : i32
      %broadcast_in_dim3A_274 = vector.broadcast %broadcast_in_dim3A_273 : i32 to vector<16xi32>
      %gather3A_275 = tpu.vector_load_idx %arg13[%add3A_234, %broadcast_in_dim3A_274] : memref<512x32xf32, #tpu.memory_space<vmem>>[vector<16xi32>, vector<16xi32>], vector<16xf32>,
      %gather3A_276 = tpu.vector_load_idx %arg14[%add3A_234, %broadcast_in_dim3A_274] : memref<512x32xf32, #tpu.memory_space<vmem>>[vector<16xi32>, vector<16xi32>], vector<16xf32>,
      %mul3A_277 = arith.mulf %gather3A_275, %gather3A_276 : vector<16xf32>
      %add3A_278 = arith.addf %add3A_272, %mul3A_277 : vector<16xf32>
      %broadcast_in_dim3A_279 = arith.constant 6 : i32
      %broadcast_in_dim3A_280 = vector.broadcast %broadcast_in_dim3A_279 : i32 to vector<16xi32>
      %gather3A_281 = tpu.vector_load_idx %arg13[%add3A_234, %broadcast_in_dim3A_280] : memref<512x32xf32, #tpu.memory_space<vmem>>[vector<16xi32>, vector<16xi32>], vector<16xf32>,
      %gather3A_282 = tpu.vector_load_idx %arg14[%add3A_234, %broadcast_in_dim3A_280] : memref<512x32xf32, #tpu.memory_space<vmem>>[vector<16xi32>, vector<16xi32>], vector<16xf32>,
      %mul3A_283 = arith.mulf %gather3A_281, %gather3A_282 : vector<16xf32>
      %add3A_284 = arith.addf %add3A_278, %mul3A_283 : vector<16xf32>
      %broadcast_in_dim3A_285 = arith.constant 7 : i32
      %broadcast_in_dim3A_286 = vector.broadcast %broadcast_in_dim3A_285 : i32 to vector<16xi32>
      %gather3A_287 = tpu.vector_load_idx %arg13[%add3A_234, %broadcast_in_dim3A_286] : memref<512x32xf32, #tpu.memory_space<vmem>>[vector<16xi32>, vector<16xi32>], vector<16xf32>,
      %gather3A_288 = tpu.vector_load_idx %arg14[%add3A_234, %broadcast_in_dim3A_286] : memref<512x32xf32, #tpu.memory_space<vmem>>[vector<16xi32>, vector<16xi32>], vector<16xf32>,
      %mul3A_289 = arith.mulf %gather3A_287, %gather3A_288 : vector<16xf32>
      %add3A_290 = arith.addf %add3A_284, %mul3A_289 : vector<16xf32>
      %broadcast_in_dim3A_291 = arith.constant 8 : i32
      %broadcast_in_dim3A_292 = vector.broadcast %broadcast_in_dim3A_291 : i32 to vector<16xi32>
      %gather3A_293 = tpu.vector_load_idx %arg13[%add3A_234, %broadcast_in_dim3A_292] : memref<512x32xf32, #tpu.memory_space<vmem>>[vector<16xi32>, vector<16xi32>], vector<16xf32>,
      %gather3A_294 = tpu.vector_load_idx %arg14[%add3A_234, %broadcast_in_dim3A_292] : memref<512x32xf32, #tpu.memory_space<vmem>>[vector<16xi32>, vector<16xi32>], vector<16xf32>,
      %mul3A_295 = arith.mulf %gather3A_293, %gather3A_294 : vector<16xf32>
      %add3A_296 = arith.addf %add3A_290, %mul3A_295 : vector<16xf32>
      %broadcast_in_dim3A_297 = arith.constant 9 : i32
      %broadcast_in_dim3A_298 = vector.broadcast %broadcast_in_dim3A_297 : i32 to vector<16xi32>
      %gather3A_299 = tpu.vector_load_idx %arg13[%add3A_234, %broadcast_in_dim3A_298] : memref<512x32xf32, #tpu.memory_space<vmem>>[vector<16xi32>, vector<16xi32>], vector<16xf32>,
      %gather3A_300 = tpu.vector_load_idx %arg14[%add3A_234, %broadcast_in_dim3A_298] : memref<512x32xf32, #tpu.memory_space<vmem>>[vector<16xi32>, vector<16xi32>], vector<16xf32>,
      %mul3A_301 = arith.mulf %gather3A_299, %gather3A_300 : vector<16xf32>
      %add3A_302 = arith.addf %add3A_296, %mul3A_301 : vector<16xf32>
      %broadcast_in_dim3A_303 = arith.constant 10 : i32
      %broadcast_in_dim3A_304 = vector.broadcast %broadcast_in_dim3A_303 : i32 to vector<16xi32>
      %gather3A_305 = tpu.vector_load_idx %arg13[%add3A_234, %broadcast_in_dim3A_304] : memref<512x32xf32, #tpu.memory_space<vmem>>[vector<16xi32>, vector<16xi32>], vector<16xf32>,
      %gather3A_306 = tpu.vector_load_idx %arg14[%add3A_234, %broadcast_in_dim3A_304] : memref<512x32xf32, #tpu.memory_space<vmem>>[vector<16xi32>, vector<16xi32>], vector<16xf32>,
      %mul3A_307 = arith.mulf %gather3A_305, %gather3A_306 : vector<16xf32>
      %add3A_308 = arith.addf %add3A_302, %mul3A_307 : vector<16xf32>
      %broadcast_in_dim3A_309 = arith.constant 11 : i32
      %broadcast_in_dim3A_310 = vector.broadcast %broadcast_in_dim3A_309 : i32 to vector<16xi32>
      %gather3A_311 = tpu.vector_load_idx %arg13[%add3A_234, %broadcast_in_dim3A_310] : memref<512x32xf32, #tpu.memory_space<vmem>>[vector<16xi32>, vector<16xi32>], vector<16xf32>,
      %gather3A_312 = tpu.vector_load_idx %arg14[%add3A_234, %broadcast_in_dim3A_310] : memref<512x32xf32, #tpu.memory_space<vmem>>[vector<16xi32>, vector<16xi32>], vector<16xf32>,
      %mul3A_313 = arith.mulf %gather3A_311, %gather3A_312 : vector<16xf32>
      %add3A_314 = arith.addf %add3A_308, %mul3A_313 : vector<16xf32>
      %broadcast_in_dim3A_315 = arith.constant 12 : i32
      %broadcast_in_dim3A_316 = vector.broadcast %broadcast_in_dim3A_315 : i32 to vector<16xi32>
      %gather3A_317 = tpu.vector_load_idx %arg13[%add3A_234, %broadcast_in_dim3A_316] : memref<512x32xf32, #tpu.memory_space<vmem>>[vector<16xi32>, vector<16xi32>], vector<16xf32>,
      %gather3A_318 = tpu.vector_load_idx %arg14[%add3A_234, %broadcast_in_dim3A_316] : memref<512x32xf32, #tpu.memory_space<vmem>>[vector<16xi32>, vector<16xi32>], vector<16xf32>,
      %mul3A_319 = arith.mulf %gather3A_317, %gather3A_318 : vector<16xf32>
      %add3A_320 = arith.addf %add3A_314, %mul3A_319 : vector<16xf32>
      %broadcast_in_dim3A_321 = arith.constant 13 : i32
      %broadcast_in_dim3A_322 = vector.broadcast %broadcast_in_dim3A_321 : i32 to vector<16xi32>
      %gather3A_323 = tpu.vector_load_idx %arg13[%add3A_234, %broadcast_in_dim3A_322] : memref<512x32xf32, #tpu.memory_space<vmem>>[vector<16xi32>, vector<16xi32>], vector<16xf32>,
      %gather3A_324 = tpu.vector_load_idx %arg14[%add3A_234, %broadcast_in_dim3A_322] : memref<512x32xf32, #tpu.memory_space<vmem>>[vector<16xi32>, vector<16xi32>], vector<16xf32>,
      %mul3A_325 = arith.mulf %gather3A_323, %gather3A_324 : vector<16xf32>
      %add3A_326 = arith.addf %add3A_320, %mul3A_325 : vector<16xf32>
      %broadcast_in_dim3A_327 = arith.constant 14 : i32
      %broadcast_in_dim3A_328 = vector.broadcast %broadcast_in_dim3A_327 : i32 to vector<16xi32>
      %gather3A_329 = tpu.vector_load_idx %arg13[%add3A_234, %broadcast_in_dim3A_328] : memref<512x32xf32, #tpu.memory_space<vmem>>[vector<16xi32>, vector<16xi32>], vector<16xf32>,
      %gather3A_330 = tpu.vector_load_idx %arg14[%add3A_234, %broadcast_in_dim3A_328] : memref<512x32xf32, #tpu.memory_space<vmem>>[vector<16xi32>, vector<16xi32>], vector<16xf32>,
      %mul3A_331 = arith.mulf %gather3A_329, %gather3A_330 : vector<16xf32>
      %add3A_332 = arith.addf %add3A_326, %mul3A_331 : vector<16xf32>
      %broadcast_in_dim3A_333 = arith.constant 15 : i32
      %broadcast_in_dim3A_334 = vector.broadcast %broadcast_in_dim3A_333 : i32 to vector<16xi32>
      %gather3A_335 = tpu.vector_load_idx %arg13[%add3A_234, %broadcast_in_dim3A_334] : memref<512x32xf32, #tpu.memory_space<vmem>>[vector<16xi32>, vector<16xi32>], vector<16xf32>,
      %gather3A_336 = tpu.vector_load_idx %arg14[%add3A_234, %broadcast_in_dim3A_334] : memref<512x32xf32, #tpu.memory_space<vmem>>[vector<16xi32>, vector<16xi32>], vector<16xf32>,
      %mul3A_337 = arith.mulf %gather3A_335, %gather3A_336 : vector<16xf32>
      %add3A_338 = arith.addf %add3A_332, %mul3A_337 : vector<16xf32>
      %broadcast_in_dim3A_339 = arith.constant 16 : i32
      %broadcast_in_dim3A_340 = vector.broadcast %broadcast_in_dim3A_339 : i32 to vector<16xi32>
      %gather3A_341 = tpu.vector_load_idx %arg13[%add3A_234, %broadcast_in_dim3A_340] : memref<512x32xf32, #tpu.memory_space<vmem>>[vector<16xi32>, vector<16xi32>], vector<16xf32>,
      %gather3A_342 = tpu.vector_load_idx %arg14[%add3A_234, %broadcast_in_dim3A_340] : memref<512x32xf32, #tpu.memory_space<vmem>>[vector<16xi32>, vector<16xi32>], vector<16xf32>,
      %mul3A_343 = arith.mulf %gather3A_341, %gather3A_342 : vector<16xf32>
      %add3A_344 = arith.addf %add3A_338, %mul3A_343 : vector<16xf32>
      %broadcast_in_dim3A_345 = arith.constant 17 : i32
      %broadcast_in_dim3A_346 = vector.broadcast %broadcast_in_dim3A_345 : i32 to vector<16xi32>
      %gather3A_347 = tpu.vector_load_idx %arg13[%add3A_234, %broadcast_in_dim3A_346] : memref<512x32xf32, #tpu.memory_space<vmem>>[vector<16xi32>, vector<16xi32>], vector<16xf32>,
      %gather3A_348 = tpu.vector_load_idx %arg14[%add3A_234, %broadcast_in_dim3A_346] : memref<512x32xf32, #tpu.memory_space<vmem>>[vector<16xi32>, vector<16xi32>], vector<16xf32>,
      %mul3A_349 = arith.mulf %gather3A_347, %gather3A_348 : vector<16xf32>
      %add3A_350 = arith.addf %add3A_344, %mul3A_349 : vector<16xf32>
      %broadcast_in_dim3A_351 = arith.constant 18 : i32
      %broadcast_in_dim3A_352 = vector.broadcast %broadcast_in_dim3A_351 : i32 to vector<16xi32>
      %gather3A_353 = tpu.vector_load_idx %arg13[%add3A_234, %broadcast_in_dim3A_352] : memref<512x32xf32, #tpu.memory_space<vmem>>[vector<16xi32>, vector<16xi32>], vector<16xf32>,
      %gather3A_354 = tpu.vector_load_idx %arg14[%add3A_234, %broadcast_in_dim3A_352] : memref<512x32xf32, #tpu.memory_space<vmem>>[vector<16xi32>, vector<16xi32>], vector<16xf32>,
      %mul3A_355 = arith.mulf %gather3A_353, %gather3A_354 : vector<16xf32>
      %add3A_356 = arith.addf %add3A_350, %mul3A_355 : vector<16xf32>
      %broadcast_in_dim3A_357 = arith.constant 19 : i32
      %broadcast_in_dim3A_358 = vector.broadcast %broadcast_in_dim3A_357 : i32 to vector<16xi32>
      %gather3A_359 = tpu.vector_load_idx %arg13[%add3A_234, %broadcast_in_dim3A_358] : memref<512x32xf32, #tpu.memory_space<vmem>>[vector<16xi32>, vector<16xi32>], vector<16xf32>,
      %gather3A_360 = tpu.vector_load_idx %arg14[%add3A_234, %broadcast_in_dim3A_358] : memref<512x32xf32, #tpu.memory_space<vmem>>[vector<16xi32>, vector<16xi32>], vector<16xf32>,
      %mul3A_361 = arith.mulf %gather3A_359, %gather3A_360 : vector<16xf32>
      %add3A_362 = arith.addf %add3A_356, %mul3A_361 : vector<16xf32>
      %broadcast_in_dim3A_363 = arith.constant 20 : i32
      %broadcast_in_dim3A_364 = vector.broadcast %broadcast_in_dim3A_363 : i32 to vector<16xi32>
      %gather3A_365 = tpu.vector_load_idx %arg13[%add3A_234, %broadcast_in_dim3A_364] : memref<512x32xf32, #tpu.memory_space<vmem>>[vector<16xi32>, vector<16xi32>], vector<16xf32>,
      %gather3A_366 = tpu.vector_load_idx %arg14[%add3A_234, %broadcast_in_dim3A_364] : memref<512x32xf32, #tpu.memory_space<vmem>>[vector<16xi32>, vector<16xi32>], vector<16xf32>,
      %mul3A_367 = arith.mulf %gather3A_365, %gather3A_366 : vector<16xf32>
      %add3A_368 = arith.addf %add3A_362, %mul3A_367 : vector<16xf32>
      %broadcast_in_dim3A_369 = arith.constant 21 : i32
      %broadcast_in_dim3A_370 = vector.broadcast %broadcast_in_dim3A_369 : i32 to vector<16xi32>
      %gather3A_371 = tpu.vector_load_idx %arg13[%add3A_234, %broadcast_in_dim3A_370] : memref<512x32xf32, #tpu.memory_space<vmem>>[vector<16xi32>, vector<16xi32>], vector<16xf32>,
      %gather3A_372 = tpu.vector_load_idx %arg14[%add3A_234, %broadcast_in_dim3A_370] : memref<512x32xf32, #tpu.memory_space<vmem>>[vector<16xi32>, vector<16xi32>], vector<16xf32>,
      %mul3A_373 = arith.mulf %gather3A_371, %gather3A_372 : vector<16xf32>
      %add3A_374 = arith.addf %add3A_368, %mul3A_373 : vector<16xf32>
      %broadcast_in_dim3A_375 = arith.constant 22 : i32
      %broadcast_in_dim3A_376 = vector.broadcast %broadcast_in_dim3A_375 : i32 to vector<16xi32>
      %gather3A_377 = tpu.vector_load_idx %arg13[%add3A_234, %broadcast_in_dim3A_376] : memref<512x32xf32, #tpu.memory_space<vmem>>[vector<16xi32>, vector<16xi32>], vector<16xf32>,
      %gather3A_378 = tpu.vector_load_idx %arg14[%add3A_234, %broadcast_in_dim3A_376] : memref<512x32xf32, #tpu.memory_space<vmem>>[vector<16xi32>, vector<16xi32>], vector<16xf32>,
      %mul3A_379 = arith.mulf %gather3A_377, %gather3A_378 : vector<16xf32>
      %add3A_380 = arith.addf %add3A_374, %mul3A_379 : vector<16xf32>
      %broadcast_in_dim3A_381 = arith.constant 23 : i32
      %broadcast_in_dim3A_382 = vector.broadcast %broadcast_in_dim3A_381 : i32 to vector<16xi32>
      %gather3A_383 = tpu.vector_load_idx %arg13[%add3A_234, %broadcast_in_dim3A_382] : memref<512x32xf32, #tpu.memory_space<vmem>>[vector<16xi32>, vector<16xi32>], vector<16xf32>,
      %gather3A_384 = tpu.vector_load_idx %arg14[%add3A_234, %broadcast_in_dim3A_382] : memref<512x32xf32, #tpu.memory_space<vmem>>[vector<16xi32>, vector<16xi32>], vector<16xf32>,
      %mul3A_385 = arith.mulf %gather3A_383, %gather3A_384 : vector<16xf32>
      %add3A_386 = arith.addf %add3A_380, %mul3A_385 : vector<16xf32>
      %broadcast_in_dim3A_387 = arith.constant 24 : i32
      %broadcast_in_dim3A_388 = vector.broadcast %broadcast_in_dim3A_387 : i32 to vector<16xi32>
      %gather3A_389 = tpu.vector_load_idx %arg13[%add3A_234, %broadcast_in_dim3A_388] : memref<512x32xf32, #tpu.memory_space<vmem>>[vector<16xi32>, vector<16xi32>], vector<16xf32>,
      %gather3A_390 = tpu.vector_load_idx %arg14[%add3A_234, %broadcast_in_dim3A_388] : memref<512x32xf32, #tpu.memory_space<vmem>>[vector<16xi32>, vector<16xi32>], vector<16xf32>,
      %mul3A_391 = arith.mulf %gather3A_389, %gather3A_390 : vector<16xf32>
      %add3A_392 = arith.addf %add3A_386, %mul3A_391 : vector<16xf32>
      %broadcast_in_dim3A_393 = arith.constant 25 : i32
      %broadcast_in_dim3A_394 = vector.broadcast %broadcast_in_dim3A_393 : i32 to vector<16xi32>
      %gather3A_395 = tpu.vector_load_idx %arg13[%add3A_234, %broadcast_in_dim3A_394] : memref<512x32xf32, #tpu.memory_space<vmem>>[vector<16xi32>, vector<16xi32>], vector<16xf32>,
      %gather3A_396 = tpu.vector_load_idx %arg14[%add3A_234, %broadcast_in_dim3A_394] : memref<512x32xf32, #tpu.memory_space<vmem>>[vector<16xi32>, vector<16xi32>], vector<16xf32>,
      %mul3A_397 = arith.mulf %gather3A_395, %gather3A_396 : vector<16xf32>
      %add3A_398 = arith.addf %add3A_392, %mul3A_397 : vector<16xf32>
      %broadcast_in_dim3A_399 = arith.constant 26 : i32
      %broadcast_in_dim3A_400 = vector.broadcast %broadcast_in_dim3A_399 : i32 to vector<16xi32>
      %gather3A_401 = tpu.vector_load_idx %arg13[%add3A_234, %broadcast_in_dim3A_400] : memref<512x32xf32, #tpu.memory_space<vmem>>[vector<16xi32>, vector<16xi32>], vector<16xf32>,
      %gather3A_402 = tpu.vector_load_idx %arg14[%add3A_234, %broadcast_in_dim3A_400] : memref<512x32xf32, #tpu.memory_space<vmem>>[vector<16xi32>, vector<16xi32>], vector<16xf32>,
      %mul3A_403 = arith.mulf %gather3A_401, %gather3A_402 : vector<16xf32>
      %add3A_404 = arith.addf %add3A_398, %mul3A_403 : vector<16xf32>
      %broadcast_in_dim3A_405 = arith.constant 27 : i32
      %broadcast_in_dim3A_406 = vector.broadcast %broadcast_in_dim3A_405 : i32 to vector<16xi32>
      %gather3A_407 = tpu.vector_load_idx %arg13[%add3A_234, %broadcast_in_dim3A_406] : memref<512x32xf32, #tpu.memory_space<vmem>>[vector<16xi32>, vector<16xi32>], vector<16xf32>,
      %gather3A_408 = tpu.vector_load_idx %arg14[%add3A_234, %broadcast_in_dim3A_406] : memref<512x32xf32, #tpu.memory_space<vmem>>[vector<16xi32>, vector<16xi32>], vector<16xf32>,
      %mul3A_409 = arith.mulf %gather3A_407, %gather3A_408 : vector<16xf32>
      %add3A_410 = arith.addf %add3A_404, %mul3A_409 : vector<16xf32>
      %broadcast_in_dim3A_411 = arith.constant 28 : i32
      %broadcast_in_dim3A_412 = vector.broadcast %broadcast_in_dim3A_411 : i32 to vector<16xi32>
      %gather3A_413 = tpu.vector_load_idx %arg13[%add3A_234, %broadcast_in_dim3A_412] : memref<512x32xf32, #tpu.memory_space<vmem>>[vector<16xi32>, vector<16xi32>], vector<16xf32>,
      %gather3A_414 = tpu.vector_load_idx %arg14[%add3A_234, %broadcast_in_dim3A_412] : memref<512x32xf32, #tpu.memory_space<vmem>>[vector<16xi32>, vector<16xi32>], vector<16xf32>,
      %mul3A_415 = arith.mulf %gather3A_413, %gather3A_414 : vector<16xf32>
      %add3A_416 = arith.addf %add3A_410, %mul3A_415 : vector<16xf32>
      %broadcast_in_dim3A_417 = arith.constant 29 : i32
      %broadcast_in_dim3A_418 = vector.broadcast %broadcast_in_dim3A_417 : i32 to vector<16xi32>
      %gather3A_419 = tpu.vector_load_idx %arg13[%add3A_234, %broadcast_in_dim3A_418] : memref<512x32xf32, #tpu.memory_space<vmem>>[vector<16xi32>, vector<16xi32>], vector<16xf32>,
      %gather3A_420 = tpu.vector_load_idx %arg14[%add3A_234, %broadcast_in_dim3A_418] : memref<512x32xf32, #tpu.memory_space<vmem>>[vector<16xi32>, vector<16xi32>], vector<16xf32>,
      %mul3A_421 = arith.mulf %gather3A_419, %gather3A_420 : vector<16xf32>
      %add3A_422 = arith.addf %add3A_416, %mul3A_421 : vector<16xf32>
      %broadcast_in_dim3A_423 = arith.constant 30 : i32
      %broadcast_in_dim3A_424 = vector.broadcast %broadcast_in_dim3A_423 : i32 to vector<16xi32>
      %gather3A_425 = tpu.vector_load_idx %arg13[%add3A_234, %broadcast_in_dim3A_424] : memref<512x32xf32, #tpu.memory_space<vmem>>[vector<16xi32>, vector<16xi32>], vector<16xf32>,
      %gather3A_426 = tpu.vector_load_idx %arg14[%add3A_234, %broadcast_in_dim3A_424] : memref<512x32xf32, #tpu.memory_space<vmem>>[vector<16xi32>, vector<16xi32>], vector<16xf32>,
      %mul3A_427 = arith.mulf %gather3A_425, %gather3A_426 : vector<16xf32>
      %add3A_428 = arith.addf %add3A_422, %mul3A_427 : vector<16xf32>
      %broadcast_in_dim3A_429 = arith.constant 31 : i32
      %broadcast_in_dim3A_430 = vector.broadcast %broadcast_in_dim3A_429 : i32 to vector<16xi32>
      %gather3A_431 = tpu.vector_load_idx %arg13[%add3A_234, %broadcast_in_dim3A_430] : memref<512x32xf32, #tpu.memory_space<vmem>>[vector<16xi32>, vector<16xi32>], vector<16xf32>,
      %gather3A_432 = tpu.vector_load_idx %arg14[%add3A_234, %broadcast_in_dim3A_430] : memref<512x32xf32, #tpu.memory_space<vmem>>[vector<16xi32>, vector<16xi32>], vector<16xf32>,
      %mul3A_433 = arith.mulf %gather3A_431, %gather3A_432 : vector<16xf32>
      %add3A_434 = arith.addf %add3A_428, %mul3A_433 : vector<16xf32>
      %mul3A_435 = arith.constant 16 : i32
      %mul3A_436 = arith.muli %scan3A_230, %mul3A_435 : i32
      %swap3A = arith.index_cast %mul3A_436 : i32 to index
      %swap3A_437 = tpu.vector_load %arg17[%swap3A] {strides = array<i32>} : memref<512xf32, #tpu.memory_space<vmem>>, vector<16xf32>,
      tpu.vector_store %arg17[%swap3A], %add3A_434 {strides = array<i32>} : memref<512xf32, #tpu.memory_space<vmem>>, vector<16xf32>,
    }
    %scan3A_229 = arith.constant 32 : i32
    "tpu.region"() ({
      %run_scoped3A = tpu.sem_alloc : memref<!tpu.dma_semaphore, #tpu.memory_space<semaphore_mem>>
      %dma_start3A_230 = tpu.memref_slice %arg9[%mul3A_2] : memref<16384xf32, #tpu.memory_space<hbm>> -> memref<512xf32, #tpu.memory_space<hbm>>
      %dma_start3A_231 = tpu.memref_slice %arg9[%mul3A_2] : memref<16384xf32, #tpu.memory_space<hbm>> -> memref<512xf32, #tpu.memory_space<hbm>>
      tpu.enqueue_dma source(%arg17 : memref<512xf32, #tpu.memory_space<vmem>>) target(%dma_start3A_231 : memref<512xf32, #tpu.memory_space<hbm>>) target_semaphore(%run_scoped3A : memref<!tpu.dma_semaphore, #tpu.memory_space<semaphore_mem>>)
      %dma_wait3A_232 = tpu.memref_slice %arg9[%mul3A_2] : memref<16384xf32, #tpu.memory_space<hbm>> -> memref<512xf32, #tpu.memory_space<hbm>>
      %dma_wait3A_233 = tpu.memref_slice %arg9[%mul3A_2] : memref<16384xf32, #tpu.memory_space<hbm>> -> memref<512xf32, #tpu.memory_space<hbm>>
      tpu.wait_dma2 semaphore(%run_scoped3A : memref<!tpu.dma_semaphore, #tpu.memory_space<semaphore_mem>>) src(%arg17 : memref<512xf32, #tpu.memory_space<vmem>>) dst(%dma_wait3A_233 : memref<512xf32, #tpu.memory_space<hbm>>)
      tpu.yield
    }) : () -> ()
    return
  }
}

</mosaic_0001>

<sc_bundles>
// kernel: kernel.3.cloned.1.call-start
scs
__scs_entry_jumppad:
0x0: {  	(pc) =	sbr.rel $0x88, $3  }
0x1: {  	(tag) =	ssettag $0x0;
	lr =	simm.s32 $0x1  }
0x2: {  	[smem:$0x3F9A] =	sst lr;
	_ =	strace $0xD0000000  }
0x3: {  	_ = 	snop  }
0x4: {  	_ = 	snop  }
0x5: {  	_ = 	snop  }
0x6: {  	_ = 	snop  }
0x7: {  	_ = 	snop  }
__scs_overlays_trampoline_lowered:
0x8: {  	[smem:$0x3FA9] =	sst s0  }
0x9: {  	[smem:$0x3FAA] =	sst s1  }
0xa: {  	[smem:$0x3FAB] =	sst s2  }
0xb: {  	[smem:$0x3FAC] =	sst s3  }
0xc: {  	[smem:$0x3FAD] =	sst s4  }
0xd: {  	[smem:$0x3FAE] =	sst s5  }
0xe: {  	[smem:$0x3FAF] =	sst s6  }
0xf: {  	[smem:$0x3FB0] =	sst s7  }
0x10: {  	[smem:$0x3FB1] =	sst s8  }
0x11: {  	[smem:$0x3FB2] =	sst s9;
	s0 =	simm.s32 @!p0 $0x0  }
0x12: {  	s1 =	sld [smem:$0x3F98];
	s0 =	simm.s32 @p0 $0x1  }
0x13: {  	[smem:$0x3FB3] =	sst s0;
	s0 =	simm.s32 @!p1 $0x0  }
0x14: {  	s2 =	sld [smem:$0x3F97];
	s0 =	simm.s32 @p1 $0x1  }
0x15: {  	[smem:$0x3FB4] =	sst s0;
	s0 =	simm.s32 @!p2 $0x0  }
0x16: {  	s3 =	sld [smem:$0x3FDB];
	s0 =	simm.s32 @p2 $0x1  }
0x17: {  	s4 =	simm.s32 $0x1BF5;
	[smem:$0x3FB6] =	sst s0  }
0x18: {  	s0 =	sld [smem:$0x3F99];
	_ =	swait.ge [sflag:s4], $0x0  }
0x19: {  	s7 =	sld [smem:$0x3F9A]  }
0x1a: {  	s8 =	sadd.s32 $0xFFFFE003, lr  }
0x1b: {  	s9 =	sadd.s32 $0xFFFFFEF7, lr;
	s5 =	simm.s32 $0xFFFFFFFF;
	p2 =	slt.u32 s8, $0xFFFFF086  }
0x1c: {  	p1 =	slt.u32 s9, $0xF7A;
	s5 =	simm.s32 @!p2 $0x0  }
0x1d: {  	s5 =	simm.s32 @p1 $0x1;
	p0 =	seq.s32 s7, s2  }
0x1e: {  	s7 =	smul.u32 @!p0 $0xF7A, s2;
	p2 =	seq.s32 @!p0 s5, $0x0  }
0x1f: {  	s9 =	smul.u32 $0xF7A, s1;
	s8 =	simm.s32 @!p0 $0x1BF5;
	p2 =	por !p2, p0  }
0x20: {  	[sflag:s8] =	ssyncset.s32 @!p0 $0xFFFFF086;
	s6 =	sadd.s32 @!p0 s3, s7;
	s7 =	simm.s32 @!p0 $0x108  }
0x21: {  	s3 =	sadd.s32 s3, s9;
	s6 =	sadd.s32 @!p0 $0x88, s6;
	s7 =	simm.s32 @p2 $0x1082  }
0x22: {  	[simem:s7], [sflag:s8] =	dma.local @!p0 [hbm:s6], $0xF7A  }
0x23: {  	s9 =	sor.u32 $0xD0000000, s2;
	s6 =	simm.s32 $0x108;
	_ =	swait.ge @!p0 [sflag:s8], $0x0  }
0x24: {  	s3 =	sadd.s32 $0x88, s3;
	s6 =	simm.s32 @!p1 $0x1082;
	[sflag:s4] =	ssyncset.s32 $0xFFFFF086  }
0x25: {  	[simem:s6], [sflag:s4] =	dma.local [hbm:s3], $0xF7A  }
0x26: {  	[smem:$0x3F9A] =	sst s1;
	(tag) =	ssettag s2;
	_ =	strace s9  }
0x27: {  	s1 =	sld [smem:$0x3FAA]  }
0x28: {  	s2 =	sld [smem:$0x3FAB]  }
0x29: {  	s4 =	sld [smem:$0x3FAD]  }
0x2a: {  	p0 =	seq.s32 s5, $0x0;
	s5 =	sld [smem:$0x3FAE]  }
0x2b: {  	s6 =	sld [smem:$0x3FAF]  }
0x2c: {  	s7 =	sld [smem:$0x3FB0]  }
0x2d: {  	s3 =	simm.s32 $0x108;
	s8 =	sld [smem:$0x3FB1]  }
0x2e: {  	s3 =	simm.s32 @!p0 $0x1082;
	s9 =	sld [smem:$0x3FB2]  }
0x2f: {  	lr =	sadd.s32 s0, s3;
	s0 =	sld [smem:$0x3FA9]  }
0x30: {  	s3 =	sld [smem:$0x3FAC]  }
0x31: {  	[smem:$0x3FB5] =	sst s10  }
0x32: {  	s10 =	sld [smem:$0x3FB3];
	_ =	sdelay $0x3  }
0x33: {  	p0 =	seq.s32 s10, $0x1;
	s10 =	sld [smem:$0x3FB5];
	_ =	sdelay $0x3  }
0x34: {  	[smem:$0x3FB5] =	sst s10  }
0x35: {  	s10 =	sld [smem:$0x3FB4];
	_ =	sdelay $0x3  }
0x36: {  	p1 =	seq.s32 s10, $0x1;
	s10 =	sld [smem:$0x3FB5];
	_ =	sdelay $0x3  }
0x37: {  	[smem:$0x3FB5] =	sst s10  }
0x38: {  	s10 =	sld [smem:$0x3FB6]  }
0x39: {  	_ = 	snop;
	(pc) =	sbr.ind lr, $3  }
0x3a: {  	_ = 	snop  }
0x3b: {  	_ = 	snop  }
0x3c: {  	p2 =	seq.s32 s10, $0x1;
	s10 =	sld [smem:$0x3FB5]  }
0x3d: {  	_ =	shalt  }
0x3e: {  	_ =	shalt  }
0x3f: {  	_ =	shalt  }
0x40: {  	_ =	shalt  }
0x41: {  	_ =	shalt  }
0x42: {  	_ =	shalt  }
0x43: {  	_ =	shalt  }
0x44: {  	_ =	shalt  }
0x45: {  	_ =	shalt  }
0x46: {  	_ =	shalt  }
0x47: {  	_ =	shalt  }
0x48: {  	_ =	shalt  }
0x49: {  	_ =	shalt  }
0x4a: {  	_ =	shalt  }
0x4b: {  	_ =	shalt  }
0x4c: {  	_ =	shalt  }
0x4d: {  	_ =	shalt  }
0x4e: {  	_ =	shalt  }
0x4f: {  	_ =	shalt  }
0x50: {  	_ =	shalt  }
0x51: {  	_ =	shalt  }
0x52: {  	_ =	shalt  }
0x53: {  	_ =	shalt  }
0x54: {  	_ =	shalt  }
0x55: {  	_ =	shalt  }
0x56: {  	_ =	shalt  }
0x57: {  	_ =	shalt  }
0x58: {  	_ =	shalt  }
0x59: {  	_ =	shalt  }
0x5a: {  	_ =	shalt  }
0x5b: {  	_ =	shalt  }
0x5c: {  	_ =	shalt  }
0x5d: {  	_ =	shalt  }
0x5e: {  	_ =	shalt  }
0x5f: {  	_ =	shalt  }
0x60: {  	_ =	shalt  }
0x61: {  	_ =	shalt  }
0x62: {  	_ =	shalt  }
0x63: {  	_ =	shalt  }
0x64: {  	_ =	shalt  }
0x65: {  	_ =	shalt  }
0x66: {  	_ =	shalt  }
0x67: {  	_ =	shalt  }
0x68: {  	_ =	shalt  }
0x69: {  	_ =	shalt  }
0x6a: {  	_ =	shalt  }
0x6b: {  	_ =	shalt  }
0x6c: {  	_ =	shalt  }
0x6d: {  	_ =	shalt  }
0x6e: {  	_ =	shalt  }
0x6f: {  	_ =	shalt  }
0x70: {  	_ =	shalt  }
0x71: {  	_ =	shalt  }
0x72: {  	_ =	shalt  }
0x73: {  	_ =	shalt  }
0x74: {  	_ =	shalt  }
0x75: {  	_ =	shalt  }
0x76: {  	_ =	shalt  }
0x77: {  	_ =	shalt  }
0x78: {  	_ =	shalt  }
0x79: {  	_ =	shalt  }
0x7a: {  	_ =	shalt  }
0x7b: {  	_ =	shalt  }
0x7c: {  	_ =	shalt  }
0x7d: {  	_ =	shalt  }
0x7e: {  	_ =	shalt  }
0x7f: {  	_ =	shalt  }
0x80: {  	_ =	shalt  }
0x81: {  	_ =	shalt  }
0x82: {  	_ =	shalt  }
0x83: {  	_ =	shalt  }
0x84: {  	_ =	shalt  }
0x85: {  	_ =	shalt  }
0x86: {  	_ =	shalt  }
0x87: {  	_ =	shalt  }
.Lfunc_end0:
.L_simem_size_0:
called_computation_lowered:
.L_overlay_start_0:
0x88: {  	s2 =	sld [smem:$0x3FD9]  }
0x89: {  	s3 =	sld [smem:$0x3FFE];
	_ =	sdelay $0x1  }
0x8a: {  	s1 =	srdreg.scid  }
0x8b: {  	s0 =	sand.u32 $0x1, s1  }
0x8c: {  	s17 =	sshll.u32 s0, $0xA;
	s2 =	sadd.s32 s3, s2  }
0x8d: {  	s2 =	sadd.s32 s2, s17  }
0x8e: {  	[smem:$0x3FC1] =	sst s2  }
0x8f: {  	_ = 	snop  }
0x90: {  	s2 =	sld [smem:$0x3FC9]  }
0x91: {  	s18 =	sld [smem:$0x3FC8]  }
0x92: {  	s4 =	sld [smem:$0x3FC7]  }
0x93: {  	s5 =	sld [smem:$0x3FC4]  }
0x94: {  	s6 =	sld [smem:$0x3FD0];
	(tm) =	ssettm $0x1  }
0x95: {  	s7 =	sld [smem:$0x3FFB];
	_ =	sdelay $0x3  }
0x96: {  	_ =	strace s7  }
0x97: {  	s7 =	sld [smem:$0x3FFC];
	_ =	sdelay $0x3  }
0x98: {  	_ =	strace s7  }
0x99: {  	s7 =	sld [smem:$0x3FFD];
	_ =	sdelay $0x3  }
0x9a: {  	_ =	strace s7  }
0x9b: {  	_ =	strace $0x8FFFFFFF  }
0x9c: {  	s19 =	sld [smem:$0x3FDB];
	_ =	sdelay $0x1  }
0x9d: {  	s8 =	simm.s32 $_scs_section_size  }
0x9e: {  	s9 =	simm.s32 $_size__tile_overlayer_lowered;
	s10 =	simm.s32 $_tile_overlayer_lowered  }
0x9f: {  	s22 =	simm.s32 $0x1BFF;
	s21 =	sshll.u32 s10, $0x1;
	s7 =	sadd.s32 s8, s19  }
0xa0: {  	s11 =	simm.s32 $0x0;
	s20 =	sshll.u32 s9, $0x1;
	s9 =	sadd.s32 s21, s7  }
0xa1: {  	[timem:s11], [sflag:s22] =	dma.local [hbm:s9], s20  }
0xa2: {  	_ =	swait.ge [sflag:s22], s20  }
0xa3: {  	s8 =	ssub.s32 $0x0, s20;
	[sflag:s22] =	ssyncset.done $0x0  }
0xa4: {  	[sflag:s22] =	ssyncadd.s32 s8;
	_ =	sdelay $0x1  }
0xa5: {  	s23 =	simm.s32 $0x1B8B  }
0xa6: {  	_ =	swait.ge [sflag:s23], $0x1  }
0xa7: {  	[sflag:s23] =	ssyncset.done $0x0  }
0xa8: {  	s25 =	simm.s32 $0x1B8E;
	s24 =	sld [smem:$0x3FFE];
	[sflag:s23] =	ssyncadd.s32 $0xFFFFFFFF  }
0xa9: {  	s26 =	simm.s32 $execute0_lowered;
	[smem:$0x3FD2] =	sst s25  }
0xaa: {  	s9 =	sshll.u32 s26, $0x1;
	_ =	strace $0x80000046;
	[dreg:$0x1] =	wrdreg $0xFFFFFFFF  }
0xab: {  	s28 =	simm.s32 $_size_execute0_lowered;
	s7 =	sadd.s32 s7, s9;
	[dreg:$0x0] =	wrdreg $0x0  }
0xac: {  	s9 =	sshll.u32 s28, $0x1;
	[dreg:$0x2] =	wrdreg s7  }
0xad: {  	[dreg:$0x3] =	wrdreg s9  }
0xae: {  	[dreg:$0x4] =	wrdreg $0xC0  }
0xaf: {  	_ =	task [dreg:s11], $0x5FFFF  }
0xb0: {  	[dreg:$0x1] =	wrdreg $0xFFFFFFFF  }
0xb1: {  	[dreg:$0x0] =	wrdreg $0x60  }
0xb2: {  	[dreg:$0x2] =	wrdreg s2  }
0xb3: {  	[dreg:$0x3] =	wrdreg s18  }
0xb4: {  	[dreg:$0x4] =	wrdreg s4  }
0xb5: {  	[dreg:$0x5] =	wrdreg s24  }
0xb6: {  	[dreg:$0x6] =	wrdreg s5  }
0xb7: {  	[dreg:$0x7] =	wrdreg s6  }
0xb8: {  	[dreg:$0x8] =	wrdreg $0x9  }
0xb9: {  	_ =	task.clear_ibuf [dreg:s11], $0x9FFFF;
	_ =	strace $0x90000046  }
0xba: {  	s29 =	simm.s32 $0x9;
	_ =	strace $0x80000048  }
0xbb: {  	_ =	swait.ge [sflag:s29], $0x1  }
0xbc: {  	[sflag:s29] =	ssyncadd.s32 $0xFFFFFFFF  }
0xbd: {  	_ =	strace $0x90000048  }
0xbe: {  	_ =	sfence  }
0xbf: {  	s30 =	sld [smem:$0x0];
	_ =	sdelay $0x2  }
0xc0: {  	s31 =	sshll.u32 s1, $0xD;
	s1 =	sshrl.u32 s1, $0x2  }
0xc1: {  	s3 =	sand.u32 $0x4000, s31;
	s1 =	sadd.s32 s1, s30  }
0xc2: {  	s0 =	sor.u32 s3, s0;
	s1 =	sshll.u32 s1, $0x11  }
0xc3: {  	s0 =	sor.u32 s1, s0  }
0xc4: {  	s0 =	sadd.s32 $0x8F2B, s0  }
0xc5: {  	[sflag:s0] =	ssyncadd.remote.s32 $0x1  }
0xc6: {  	_ =	sfence.sel $0xFFFF  }
0xc7: {  	[dreg:$0x0] =	wrdreg $0xFFFFFFFF;
	(pc) =	sbr.abs _section_cstart, $3  }
0xc8: {  	[dreg:$0x1] =	wrdreg $0xFFFFFFFF  }
0xc9: {  	_ =	task.clear_ibuf [dreg:s11], $0x2FFFF;
	_ =	strace $0x9FFFFFFF  }
0xca: {  	(tm) =	ssettm $0x7FFFFFFF  }
0xcb: {  	_ =	shalt  }
tec
execute0_lowered:
.L_overlay_start_1:
0x0: {  	(tag) =	ssettag $0x1  }
0x1: {  	s0 =	rddreg [dreg:$0x0]  }
0x2: {  	s3 =	rddreg [dreg:$0x1]  }
0x3: {  	s9 =	rddreg [dreg:$0x2]  }
0x4: {  	s6 =	rddreg [dreg:$0x3]  }
0x5: {  	s1 =	rddreg [dreg:$0x4]  }
0x6: {  	s10 =	rddreg [dreg:$0x5];
	s2 =	simm.s32 $0x0  }
0x7: {  	s7 =	srdreg.scid;
	s11 =	stileid.u32;
	s13 =	simm.s32 $0x200  }
0x8: {  	s15 =	simm.s32 $0x80;
	s16 =	simm.s32 $0x600;
	s17 =	simm.s32 $0x4600  }
0x9: {  	s22 =	simm.s32 $0x100;
	s25 =	simm.s32 $0x6600;
	s26 =	simm.s32 $0x8700  }
0xa: {  	s28 =	simm.s32 $0x180;
	s29 =	simm.s32 $0x3600;
	s30 =	simm.s32 $0x380  }
0xb: {  	s31 =	simm.s32 $0x7600;
	s14 =	simm.s32 $0x2;
	s18 =	simm.s32 $0x8810  }
0xc: {  	s19 =	simm.s32 $0x0;
	[smem:$0x7FF] =	sst s2;
	s4 =	sadd.s32 $0xF42A00, s6  }
0xd: {  	s5 =	sadd.s32 $0x187000, s6;
	s7 =	sand.u32 $0x1, s7;
	s11 =	sshll.u32 s11, $0x7  }
0xe: {  	s6 =	sadd.s32 $0x600, s6;
	s8 =	ssub.s32 $0x2, s7;
	s7 =	sshll.u32 s7, $0x6  }
0xf: {  	_ =	strace $0x80000047;
	s12 =	sshrl.u32 s8, $0x1;
	s11 =	sor.u32 s7, s11  }
0x10: {  	s12 =	ssub.s32 s8, s12;
	s7 =	sadd.s32 s0, s11;
	s8 =	sadd.s32 s3, s11  }
0x11: {  	v0 =	vlaneseq.u32;
	s9 =	sadd.s32 s9, s11;
	s10 =	sadd.s32 s10, s11;
	s0 =	simm.s32 $0x8780  }
0x12: {  	v0 =	vmul.u32 $0x20, v0;
	s3 =	simm.s32 $0x1;
	s11 =	smax.u32 s12, $0x1;
	s12 =	simm.s32 $0x3  }
.LBB2_1:
0x13: {  	[tilespmem:s2], [sflag:$0x3] =	stream.linear.gather [hbm4b:s7+s2], $0x200, $0x38;
	[tilespmem:$0x8A10] =	vst v63  }
0x14: {  	_ =	swait.ge [sflag:s12], $0x200  }
0x15: {  	[sflag:s12] =	ssyncset.done $0x0  }
0x16: {  	[sflag:s12] =	ssyncadd.s32 $0xFFFFFE00  }
0x17: {  	[tilespmem:s13], [sflag:$0x3] =	stream.linear.gather [hbm4b:s8+s2], $0x200, $0x38;
	[tilespmem:$0x8A10] =	vst v63  }
0x18: {  	_ =	swait.ge [sflag:s12], $0x200  }
0x19: {  	[sflag:s12] =	ssyncset.done $0x0  }
0x1a: {  	s20 =	simm.s32 $0x400;
	[sflag:s12] =	ssyncadd.s32 $0xFFFFFE00  }
0x1b: {  	[tilespmem:s20], [sflag:$0x3] =	stream.linear.gather [hbm4b:s9+s2], $0x200, $0x38;
	[tilespmem:$0x8A10] =	vst v63  }
0x1c: {  	_ =	swait.ge [sflag:s12], $0x200  }
0x1d: {  	[sflag:s12] =	ssyncset.done $0x0  }
0x1e: {  	s21 =	simm.s32 $0x8800;
	[sflag:s12] =	ssyncadd.s32 $0xFFFFFE00  }
0x1f: {  	[tilespmem:s21], [sflag:$0x3] =	stream.linear.gather [hbm4b:s6+s2], $0x10, $0x38;
	[tilespmem:$0x8A10] =	vst v63  }
0x20: {  	_ =	swait.ge [sflag:s12], $0x10  }
0x21: {  	[sflag:s12] =	ssyncset.done $0x0  }
0x22: {  	[sflag:s12] =	ssyncadd.s32 $0xFFFFFFF0  }
0x23: {  	[tilespmem:s16], [sflag:$0x1] =	stream.indirect.gather [hbm4b:s4+s15], $0x20, s2, s15, $0xb8;
	[tilespmem:$0x8A10] =	vst v63  }
0x24: {  	_ = 	snop  }
0x25: {  	[tilespmem:s17], [sflag:$0x1] =	stream.indirect.gather [hbm4b:s5+s15], $0x20, s13, s15, $0xb8;
	[tilespmem:$0x8A10] =	vst v63  }
0x26: {  	s21 =	simm.s32 $0x8600  }
0x27: {  	[tilespmem:s21], [sflag:$0x2] =	stream.indirect.gather [hbm4b:s1+s15], $0x1, s2, s15, $0xb8;
	[tilespmem:$0x8A10] =	vst v63  }
0x28: {  	s23 =	simm.s32 $0x1600  }
0x29: {  	[tilespmem:s23], [sflag:$0x1] =	stream.indirect.gather [hbm4b:s4+s15], $0x20, s15, s15, $0xb8;
	[tilespmem:$0x8A10] =	vst v63  }
0x2a: {  	s24 =	simm.s32 $0x5600;
	s23 =	simm.s32 $0x280  }
0x2b: {  	[tilespmem:s24], [sflag:$0x1] =	stream.indirect.gather [hbm4b:s5+s15], $0x20, s23, s15, $0xb8;
	[tilespmem:$0x8A10] =	vst v63  }
0x2c: {  	s24 =	simm.s32 $0x8680  }
0x2d: {  	[tilespmem:s24], [sflag:$0x2] =	stream.indirect.gather [hbm4b:s1+s15], $0x1, s15, s15, $0xb8;
	[tilespmem:$0x8A10] =	vst v63  }
0x2e: {  	s24 =	simm.s32 $0x2600  }
0x2f: {  	[tilespmem:s24], [sflag:$0x1] =	stream.indirect.gather [hbm4b:s4+s15], $0x20, s22, s15, $0xb8;
	[tilespmem:$0x8A10] =	vst v63  }
0x30: {  	s24 =	simm.s32 $0x300  }
0x31: {  	[tilespmem:s25], [sflag:$0x1] =	stream.indirect.gather [hbm4b:s5+s15], $0x20, s24, s15, $0xb8;
	[tilespmem:$0x8A10] =	vst v63  }
0x32: {  	_ = 	snop  }
0x33: {  	[tilespmem:s26], [sflag:$0x2] =	stream.indirect.gather [hbm4b:s1+s15], $0x1, s22, s15, $0xb8;
	[tilespmem:$0x8A10] =	vst v63  }
0x34: {  	_ = 	snop  }
0x35: {  	[tilespmem:s29], [sflag:$0x1] =	stream.indirect.gather [hbm4b:s4+s15], $0x20, s28, s15, $0xb8;
	[tilespmem:$0x8A10] =	vst v63  }
0x36: {  	_ = 	snop  }
0x37: {  	[tilespmem:s31], [sflag:$0x1] =	stream.indirect.gather [hbm4b:s5+s15], $0x20, s30, s15, $0xb8;
	[tilespmem:$0x8A10] =	vst v63  }
0x38: {  	_ = 	snop  }
0x39: {  	[tilespmem:s0], [sflag:$0x2] =	stream.indirect.gather [hbm4b:s1+s15], $0x1, s28, s15, $0xb8;
	[tilespmem:$0x8A10] =	vst v63  }
0x3a: {  	_ =	swait.ge [sflag:s3], $0x1000  }
0x3b: {  	[sflag:s3] =	ssyncset.done $0x0  }
0x3c: {  	[sflag:s3] =	ssyncadd.s32 $0xFFFFF000  }
0x3d: {  	_ =	swait.ge [sflag:s3], $0x1000  }
0x3e: {  	[sflag:s3] =	ssyncset.done $0x0  }
0x3f: {  	[sflag:s3] =	ssyncadd.s32 $0xFFFFF000  }
0x40: {  	_ =	swait.ge [sflag:s14], $0x80  }
0x41: {  	[sflag:s14] =	ssyncset.done $0x0  }
0x42: {  	[sflag:s14] =	ssyncadd.s32 $0xFFFFFF80  }
0x43: {  	_ =	swait.ge [sflag:s3], $0x1000  }
0x44: {  	[sflag:s3] =	ssyncset.done $0x0  }
0x45: {  	[sflag:s3] =	ssyncadd.s32 $0xFFFFF000  }
0x46: {  	_ =	swait.ge [sflag:s3], $0x1000  }
0x47: {  	[sflag:s3] =	ssyncset.done $0x0  }
0x48: {  	[sflag:s3] =	ssyncadd.s32 $0xFFFFF000  }
0x49: {  	_ =	swait.ge [sflag:s14], $0x80  }
0x4a: {  	[sflag:s14] =	ssyncset.done $0x0  }
0x4b: {  	[sflag:s14] =	ssyncadd.s32 $0xFFFFFF80  }
0x4c: {  	_ =	swait.ge [sflag:s3], $0x1000  }
0x4d: {  	[sflag:s3] =	ssyncset.done $0x0  }
0x4e: {  	[sflag:s3] =	ssyncadd.s32 $0xFFFFF000  }
0x4f: {  	_ =	swait.ge [sflag:s3], $0x1000  }
0x50: {  	[sflag:s3] =	ssyncset.done $0x0  }
0x51: {  	[sflag:s3] =	ssyncadd.s32 $0xFFFFF000  }
0x52: {  	_ =	swait.ge [sflag:s14], $0x80  }
0x53: {  	[sflag:s14] =	ssyncset.done $0x0  }
0x54: {  	[sflag:s14] =	ssyncadd.s32 $0xFFFFFF80  }
0x55: {  	_ =	swait.ge [sflag:s3], $0x1000  }
0x56: {  	[sflag:s3] =	ssyncset.done $0x0  }
0x57: {  	[sflag:s3] =	ssyncadd.s32 $0xFFFFF000  }
0x58: {  	_ =	swait.ge [sflag:s3], $0x1000  }
0x59: {  	[sflag:s3] =	ssyncset.done $0x0  }
0x5a: {  	v1 =	vmov s2;
	[sflag:s3] =	ssyncadd.s32 $0xFFFFF000  }
0x5b: {  	v1 =	vshll.u32 v1, $0x5;
	_ =	swait.ge [sflag:s14], $0x80  }
0x5c: {  	v2 =	vor.u32 v0, v1;
	[sflag:s14] =	ssyncset.done $0x0  }
0x5d: {  	[sflag:s14] =	ssyncadd.s32 $0xFFFFFF80  }
0x5e: {  	v3 =	vor.u32 $0x1, v2;
	v1 =	vld [tilespmem:$0x8800]  }
0x5f: {  	v4 =	vld [tilespmem:s20+$0x0]  }
0x60: {  	v5 =	vor.u32 $0x2, v2;
	v6 =	vld [tilespmem:s21+$0x0]  }
0x61: {  	v7 =	vld.idx.msk [tilespmem:v2+s16+$0x0], $0xffff  }
0x62: {  	v9 =	vor.u32 $0x3, v2;
	v8 =	vld.idx.msk [tilespmem:v2+s17+$0x0], $0xffff  }
0x63: {  	v10 =	vld.idx.msk [tilespmem:v3+s16+$0x0], $0xffff  }
0x64: {  	v11 =	vor.u32 $0x4, v2;
	v3 =	vld.idx.msk [tilespmem:v3+s17+$0x0], $0xffff  }
0x65: {  	v12 =	vld.idx.msk [tilespmem:v5+s16+$0x0], $0xffff;
	v4 =	vmul.f32 v4, v6  }
0x66: {  	v5 =	vld.idx.msk [tilespmem:v5+s17+$0x0], $0xffff;
	v6 =	vor.u32 $0x5, v2  }
0x67: {  	v13 =	vld.idx.msk [tilespmem:v9+s16+$0x0], $0xffff;
	v7 =	vmul.f32 v8, v7;
	v4 =	vadd.f32 v4, v1  }
0x68: {  	v48 =	vor.u32 $0x6, v2;
	v47 =	vld.idx.msk [tilespmem:v9+s17+$0x0], $0xffff  }
0x69: {  	v14 =	vld.idx.msk [tilespmem:v11+s16+$0x0], $0xffff;
	v3 =	vmul.f32 v3, v10;
	v4 =	vadd.f32 v7, v4  }
0x6a: {  	v49 =	vor.u32 $0x7, v2;
	v7 =	vld.idx.msk [tilespmem:v11+s17+$0x0], $0xffff  }
0x6b: {  	v50 =	vld.idx.msk [tilespmem:v6+s16+$0x0], $0xffff;
	v3 =	vadd.f32 v3, v4;
	v4 =	vmul.f32 v5, v12  }
0x6c: {  	v5 =	vld.idx.msk [tilespmem:v6+s17+$0x0], $0xffff;
	v6 =	vor.u32 $0x8, v2  }
0x6d: {  	v51 =	vld.idx.msk [tilespmem:v48+s16+$0x0], $0xffff;
	v3 =	vadd.f32 v4, v3;
	v4 =	vmul.f32 v47, v13  }
0x6e: {  	v53 =	vor.u32 $0x9, v2;
	v52 =	vld.idx.msk [tilespmem:v48+s17+$0x0], $0xffff  }
0x6f: {  	v54 =	vld.idx.msk [tilespmem:v49+s16+$0x0], $0xffff;
	v3 =	vadd.f32 v4, v3;
	v4 =	vmul.f32 v7, v14  }
0x70: {  	v55 =	vor.u32 $0xA, v2;
	v7 =	vld.idx.msk [tilespmem:v49+s17+$0x0], $0xffff  }
0x71: {  	v56 =	vld.idx.msk [tilespmem:v6+s16+$0x0], $0xffff;
	v3 =	vadd.f32 v4, v3;
	v4 =	vmul.f32 v5, v50  }
0x72: {  	v5 =	vld.idx.msk [tilespmem:v6+s17+$0x0], $0xffff;
	v6 =	vor.u32 $0xB, v2  }
0x73: {  	v57 =	vld.idx.msk [tilespmem:v53+s16+$0x0], $0xffff;
	v3 =	vadd.f32 v4, v3;
	v4 =	vmul.f32 v52, v51  }
0x74: {  	v59 =	vor.u32 $0xC, v2;
	v58 =	vld.idx.msk [tilespmem:v53+s17+$0x0], $0xffff  }
0x75: {  	v60 =	vld.idx.msk [tilespmem:v55+s16+$0x0], $0xffff;
	v3 =	vadd.f32 v4, v3;
	v4 =	vmul.f32 v7, v54  }
0x76: {  	v61 =	vor.u32 $0xD, v2;
	v7 =	vld.idx.msk [tilespmem:v55+s17+$0x0], $0xffff  }
0x77: {  	v62 =	vld.idx.msk [tilespmem:v6+s16+$0x0], $0xffff;
	v3 =	vadd.f32 v4, v3;
	v4 =	vmul.f32 v5, v56  }
0x78: {  	v5 =	vld.idx.msk [tilespmem:v6+s17+$0x0], $0xffff;
	v6 =	vor.u32 $0xE, v2  }
0x79: {  	v63 =	vld.idx.msk [tilespmem:v59+s16+$0x0], $0xffff;
	v3 =	vadd.f32 v4, v3;
	v4 =	vmul.f32 v58, v57  }
0x7a: {  	v17 =	vor.u32 $0xF, v2;
	v16 =	vld.idx.msk [tilespmem:v59+s17+$0x0], $0xffff  }
0x7b: {  	v18 =	vld.idx.msk [tilespmem:v61+s16+$0x0], $0xffff;
	v3 =	vadd.f32 v4, v3;
	v4 =	vmul.f32 v7, v60  }
0x7c: {  	v19 =	vor.u32 $0x10, v2;
	v7 =	vld.idx.msk [tilespmem:v61+s17+$0x0], $0xffff  }
0x7d: {  	v20 =	vld.idx.msk [tilespmem:v6+s16+$0x0], $0xffff;
	v3 =	vadd.f32 v4, v3;
	v4 =	vmul.f32 v5, v62  }
0x7e: {  	v5 =	vld.idx.msk [tilespmem:v6+s17+$0x0], $0xffff;
	v6 =	vor.u32 $0x11, v2  }
0x7f: {  	v21 =	vld.idx.msk [tilespmem:v17+s16+$0x0], $0xffff;
	v3 =	vadd.f32 v4, v3;
	v4 =	vmul.f32 v16, v63  }
0x80: {  	v23 =	vor.u32 $0x12, v2;
	v22 =	vld.idx.msk [tilespmem:v17+s17+$0x0], $0xffff  }
0x81: {  	v24 =	vld.idx.msk [tilespmem:v19+s16+$0x0], $0xffff;
	v3 =	vadd.f32 v4, v3;
	v4 =	vmul.f32 v7, v18  }
0x82: {  	v25 =	vor.u32 $0x13, v2;
	v7 =	vld.idx.msk [tilespmem:v19+s17+$0x0], $0xffff  }
0x83: {  	v26 =	vld.idx.msk [tilespmem:v6+s16+$0x0], $0xffff;
	v3 =	vadd.f32 v4, v3;
	v4 =	vmul.f32 v5, v20  }
0x84: {  	v5 =	vld.idx.msk [tilespmem:v6+s17+$0x0], $0xffff;
	v6 =	vor.u32 $0x14, v2  }
0x85: {  	v27 =	vld.idx.msk [tilespmem:v23+s16+$0x0], $0xffff;
	v3 =	vadd.f32 v4, v3;
	v4 =	vmul.f32 v22, v21  }
0x86: {  	v29 =	vor.u32 $0x15, v2;
	v28 =	vld.idx.msk [tilespmem:v23+s17+$0x0], $0xffff  }
0x87: {  	v30 =	vld.idx.msk [tilespmem:v25+s16+$0x0], $0xffff;
	v3 =	vadd.f32 v4, v3;
	v4 =	vmul.f32 v7, v24  }
0x88: {  	v31 =	vor.u32 $0x16, v2;
	v7 =	vld.idx.msk [tilespmem:v25+s17+$0x0], $0xffff  }
0x89: {  	v32 =	vld.idx.msk [tilespmem:v6+s16+$0x0], $0xffff;
	v3 =	vadd.f32 v4, v3;
	v4 =	vmul.f32 v5, v26  }
0x8a: {  	v5 =	vld.idx.msk [tilespmem:v6+s17+$0x0], $0xffff;
	v6 =	vor.u32 $0x17, v2  }
0x8b: {  	v33 =	vld.idx.msk [tilespmem:v29+s16+$0x0], $0xffff;
	v3 =	vadd.f32 v4, v3;
	v4 =	vmul.f32 v28, v27  }
0x8c: {  	v35 =	vor.u32 $0x18, v2;
	v34 =	vld.idx.msk [tilespmem:v29+s17+$0x0], $0xffff  }
0x8d: {  	v36 =	vld.idx.msk [tilespmem:v31+s16+$0x0], $0xffff;
	v3 =	vadd.f32 v4, v3;
	v4 =	vmul.f32 v7, v30  }
0x8e: {  	v37 =	vor.u32 $0x19, v2;
	v7 =	vld.idx.msk [tilespmem:v31+s17+$0x0], $0xffff  }
0x8f: {  	v38 =	vld.idx.msk [tilespmem:v6+s16+$0x0], $0xffff;
	v3 =	vadd.f32 v4, v3;
	v4 =	vmul.f32 v5, v32  }
0x90: {  	v5 =	vld.idx.msk [tilespmem:v6+s17+$0x0], $0xffff;
	v6 =	vor.u32 $0x1A, v2  }
0x91: {  	v39 =	vld.idx.msk [tilespmem:v35+s16+$0x0], $0xffff;
	v3 =	vadd.f32 v4, v3;
	v4 =	vmul.f32 v34, v33  }
0x92: {  	v41 =	vor.u32 $0x1B, v2;
	v40 =	vld.idx.msk [tilespmem:v35+s17+$0x0], $0xffff  }
0x93: {  	v42 =	vld.idx.msk [tilespmem:v37+s16+$0x0], $0xffff;
	v3 =	vadd.f32 v4, v3;
	v4 =	vmul.f32 v7, v36  }
0x94: {  	v43 =	vor.u32 $0x1C, v2;
	v7 =	vld.idx.msk [tilespmem:v37+s17+$0x0], $0xffff  }
0x95: {  	v44 =	vld.idx.msk [tilespmem:v6+s16+$0x0], $0xffff;
	v3 =	vadd.f32 v4, v3;
	v4 =	vmul.f32 v5, v38  }
0x96: {  	v5 =	vld.idx.msk [tilespmem:v6+s17+$0x0], $0xffff;
	v6 =	vor.u32 $0x1D, v2  }
0x97: {  	v45 =	vld.idx.msk [tilespmem:v41+s16+$0x0], $0xffff;
	v3 =	vadd.f32 v4, v3;
	v4 =	vmul.f32 v40, v39  }
0x98: {  	v46 =	vld.idx.msk [tilespmem:v41+s17+$0x0], $0xffff;
	v47 =	vor.u32 $0x1E, v2  }
0x99: {  	v48 =	vld.idx.msk [tilespmem:v43+s16+$0x0], $0xffff;
	v3 =	vadd.f32 v4, v3;
	v4 =	vmul.f32 v7, v42  }
0x9a: {  	v2 =	vor.u32 $0x1F, v2;
	v7 =	vld.idx.msk [tilespmem:v43+s17+$0x0], $0xffff  }
0x9b: {  	v49 =	vld.idx.msk [tilespmem:v6+s16+$0x0], $0xffff;
	v3 =	vadd.f32 v4, v3;
	v4 =	vmul.f32 v5, v44  }
0x9c: {  	v5 =	vld.idx.msk [tilespmem:v6+s17+$0x0], $0xffff  }
0x9d: {  	v50 =	vld.idx.msk [tilespmem:v47+s17+$0x0], $0xffff;
	v3 =	vadd.f32 v4, v3;
	v4 =	vmul.f32 v46, v45  }
0x9e: {  	v6 =	vld.idx.msk [tilespmem:v47+s16+$0x0], $0xffff  }
0x9f: {  	v51 =	vld.idx.msk [tilespmem:v2+s16+$0x0], $0xffff;
	v3 =	vadd.f32 v4, v3;
	v4 =	vmul.f32 v7, v48  }
0xa0: {  	v2 =	vld.idx.msk [tilespmem:v2+s17+$0x0], $0xffff  }
0xa1: {  	v3 =	vadd.f32 v4, v3;
	v4 =	vmul.f32 v5, v49;
	_ =	sdelay $0x1  }
0xa2: {  	v3 =	vadd.f32 v4, v3;
	v4 =	vmul.f32 v50, v6  }
0xa3: {  	s23 =	simm.s32 $0x10  }
0xa4: {  	v5 =	vmov s23;
	v3 =	vadd.f32 v4, v3;
	v4 =	vmul.f32 v2, v51  }
0xa5: {  	v2 =	vshll.u32 v5, $0x5  }
0xa6: {  	v2 =	vor.u32 v0, v2;
	v3 =	vadd.f32 v4, v3;
	_ =	sdelay $0x1  }
0xa7: {  	s20 =	simm.s32 $0x410;
	v4 =	vor.u32 $0x1, v2;
	[tilespmem:s18+$0x0] =	vst v3  }
0xa8: {  	s21 =	simm.s32 $0x8610;
	v3 =	vld [tilespmem:s20+$0x0]  }
0xa9: {  	v5 =	vor.u32 $0x2, v2;
	v6 =	vld [tilespmem:s21+$0x0]  }
0xaa: {  	v7 =	vld.idx.msk [tilespmem:v2+s16+$0x0], $0xffff  }
0xab: {  	v53 =	vor.u32 $0x3, v2;
	v52 =	vld.idx.msk [tilespmem:v2+s17+$0x0], $0xffff  }
0xac: {  	v54 =	vld.idx.msk [tilespmem:v4+s16+$0x0], $0xffff  }
0xad: {  	v55 =	vor.u32 $0x4, v2;
	v4 =	vld.idx.msk [tilespmem:v4+s17+$0x0], $0xffff  }
0xae: {  	v56 =	vld.idx.msk [tilespmem:v5+s16+$0x0], $0xffff;
	v3 =	vmul.f32 v3, v6  }
0xaf: {  	v5 =	vld.idx.msk [tilespmem:v5+s17+$0x0], $0xffff;
	v6 =	vor.u32 $0x5, v2  }
0xb0: {  	v57 =	vld.idx.msk [tilespmem:v53+s16+$0x0], $0xffff;
	v7 =	vmul.f32 v52, v7;
	v3 =	vadd.f32 v3, v1  }
0xb1: {  	v59 =	vor.u32 $0x6, v2;
	v58 =	vld.idx.msk [tilespmem:v53+s17+$0x0], $0xffff  }
0xb2: {  	v60 =	vld.idx.msk [tilespmem:v55+s16+$0x0], $0xffff;
	v4 =	vmul.f32 v4, v54;
	v3 =	vadd.f32 v7, v3  }
0xb3: {  	v61 =	vor.u32 $0x7, v2;
	v7 =	vld.idx.msk [tilespmem:v55+s17+$0x0], $0xffff  }
0xb4: {  	v62 =	vld.idx.msk [tilespmem:v6+s16+$0x0], $0xffff;
	v3 =	vadd.f32 v4, v3;
	v4 =	vmul.f32 v5, v56  }
0xb5: {  	v5 =	vld.idx.msk [tilespmem:v6+s17+$0x0], $0xffff;
	v6 =	vor.u32 $0x8, v2  }
0xb6: {  	v63 =	vld.idx.msk [tilespmem:v59+s16+$0x0], $0xffff;
	v3 =	vadd.f32 v4, v3;
	v4 =	vmul.f32 v58, v57  }
0xb7: {  	v17 =	vor.u32 $0x9, v2;
	v16 =	vld.idx.msk [tilespmem:v59+s17+$0x0], $0xffff  }
0xb8: {  	v18 =	vld.idx.msk [tilespmem:v61+s16+$0x0], $0xffff;
	v3 =	vadd.f32 v4, v3;
	v4 =	vmul.f32 v7, v60  }
0xb9: {  	v19 =	vor.u32 $0xA, v2;
	v7 =	vld.idx.msk [tilespmem:v61+s17+$0x0], $0xffff  }
0xba: {  	v20 =	vld.idx.msk [tilespmem:v6+s16+$0x0], $0xffff;
	v3 =	vadd.f32 v4, v3;
	v4 =	vmul.f32 v5, v62  }
0xbb: {  	v5 =	vld.idx.msk [tilespmem:v6+s17+$0x0], $0xffff;
	v6 =	vor.u32 $0xB, v2  }
0xbc: {  	v21 =	vld.idx.msk [tilespmem:v17+s16+$0x0], $0xffff;
	v3 =	vadd.f32 v4, v3;
	v4 =	vmul.f32 v16, v63  }
0xbd: {  	v23 =	vor.u32 $0xC, v2;
	v22 =	vld.idx.msk [tilespmem:v17+s17+$0x0], $0xffff  }
0xbe: {  	v24 =	vld.idx.msk [tilespmem:v19+s16+$0x0], $0xffff;
	v3 =	vadd.f32 v4, v3;
	v4 =	vmul.f32 v7, v18  }
0xbf: {  	v25 =	vor.u32 $0xD, v2;
	v7 =	vld.idx.msk [tilespmem:v19+s17+$0x0], $0xffff  }
0xc0: {  	v26 =	vld.idx.msk [tilespmem:v6+s16+$0x0], $0xffff;
	v3 =	vadd.f32 v4, v3;
	v4 =	vmul.f32 v5, v20  }
0xc1: {  	v5 =	vld.idx.msk [tilespmem:v6+s17+$0x0], $0xffff;
	v6 =	vor.u32 $0xE, v2  }
0xc2: {  	v27 =	vld.idx.msk [tilespmem:v23+s16+$0x0], $0xffff;
	v3 =	vadd.f32 v4, v3;
	v4 =	vmul.f32 v22, v21  }
0xc3: {  	v29 =	vor.u32 $0xF, v2;
	v28 =	vld.idx.msk [tilespmem:v23+s17+$0x0], $0xffff  }
0xc4: {  	v30 =	vld.idx.msk [tilespmem:v25+s16+$0x0], $0xffff;
	v3 =	vadd.f32 v4, v3;
	v4 =	vmul.f32 v7, v24  }
0xc5: {  	v31 =	vor.u32 $0x10, v2;
	v7 =	vld.idx.msk [tilespmem:v25+s17+$0x0], $0xffff  }
0xc6: {  	v32 =	vld.idx.msk [tilespmem:v6+s16+$0x0], $0xffff;
	v3 =	vadd.f32 v4, v3;
	v4 =	vmul.f32 v5, v26  }
0xc7: {  	v5 =	vld.idx.msk [tilespmem:v6+s17+$0x0], $0xffff;
	v6 =	vor.u32 $0x11, v2  }
0xc8: {  	v33 =	vld.idx.msk [tilespmem:v29+s16+$0x0], $0xffff;
	v3 =	vadd.f32 v4, v3;
	v4 =	vmul.f32 v28, v27  }
0xc9: {  	v35 =	vor.u32 $0x12, v2;
	v34 =	vld.idx.msk [tilespmem:v29+s17+$0x0], $0xffff  }
0xca: {  	v36 =	vld.idx.msk [tilespmem:v31+s16+$0x0], $0xffff;
	v3 =	vadd.f32 v4, v3;
	v4 =	vmul.f32 v7, v30  }
0xcb: {  	v37 =	vor.u32 $0x13, v2;
	v7 =	vld.idx.msk [tilespmem:v31+s17+$0x0], $0xffff  }
0xcc: {  	v38 =	vld.idx.msk [tilespmem:v6+s16+$0x0], $0xffff;
	v3 =	vadd.f32 v4, v3;
	v4 =	vmul.f32 v5, v32  }
0xcd: {  	v5 =	vld.idx.msk [tilespmem:v6+s17+$0x0], $0xffff;
	v6 =	vor.u32 $0x14, v2  }
0xce: {  	v39 =	vld.idx.msk [tilespmem:v35+s16+$0x0], $0xffff;
	v3 =	vadd.f32 v4, v3;
	v4 =	vmul.f32 v34, v33  }
0xcf: {  	v41 =	vor.u32 $0x15, v2;
	v40 =	vld.idx.msk [tilespmem:v35+s17+$0x0], $0xffff  }
0xd0: {  	v42 =	vld.idx.msk [tilespmem:v37+s16+$0x0], $0xffff;
	v3 =	vadd.f32 v4, v3;
	v4 =	vmul.f32 v7, v36  }
0xd1: {  	v43 =	vor.u32 $0x16, v2;
	v7 =	vld.idx.msk [tilespmem:v37+s17+$0x0], $0xffff  }
0xd2: {  	v44 =	vld.idx.msk [tilespmem:v6+s16+$0x0], $0xffff;
	v3 =	vadd.f32 v4, v3;
	v4 =	vmul.f32 v5, v38  }
0xd3: {  	v5 =	vld.idx.msk [tilespmem:v6+s17+$0x0], $0xffff;
	v6 =	vor.u32 $0x17, v2  }
0xd4: {  	v45 =	vld.idx.msk [tilespmem:v41+s16+$0x0], $0xffff;
	v3 =	vadd.f32 v4, v3;
	v4 =	vmul.f32 v40, v39  }
0xd5: {  	v47 =	vor.u32 $0x18, v2;
	v46 =	vld.idx.msk [tilespmem:v41+s17+$0x0], $0xffff  }
0xd6: {  	v48 =	vld.idx.msk [tilespmem:v43+s16+$0x0], $0xffff;
	v3 =	vadd.f32 v4, v3;
	v4 =	vmul.f32 v7, v42  }
0xd7: {  	v49 =	vor.u32 $0x19, v2;
	v7 =	vld.idx.msk [tilespmem:v43+s17+$0x0], $0xffff  }
0xd8: {  	v50 =	vld.idx.msk [tilespmem:v6+s16+$0x0], $0xffff;
	v3 =	vadd.f32 v4, v3;
	v4 =	vmul.f32 v5, v44  }
0xd9: {  	v5 =	vld.idx.msk [tilespmem:v6+s17+$0x0], $0xffff;
	v6 =	vor.u32 $0x1A, v2  }
0xda: {  	v51 =	vld.idx.msk [tilespmem:v47+s16+$0x0], $0xffff;
	v3 =	vadd.f32 v4, v3;
	v4 =	vmul.f32 v46, v45  }
0xdb: {  	v53 =	vor.u32 $0x1B, v2;
	v52 =	vld.idx.msk [tilespmem:v47+s17+$0x0], $0xffff  }
0xdc: {  	v54 =	vld.idx.msk [tilespmem:v49+s16+$0x0], $0xffff;
	v3 =	vadd.f32 v4, v3;
	v4 =	vmul.f32 v7, v48  }
0xdd: {  	v55 =	vor.u32 $0x1C, v2;
	v7 =	vld.idx.msk [tilespmem:v49+s17+$0x0], $0xffff  }
0xde: {  	v56 =	vld.idx.msk [tilespmem:v6+s16+$0x0], $0xffff;
	v3 =	vadd.f32 v4, v3;
	v4 =	vmul.f32 v5, v50  }
0xdf: {  	v5 =	vld.idx.msk [tilespmem:v6+s17+$0x0], $0xffff;
	v6 =	vor.u32 $0x1D, v2  }
0xe0: {  	v57 =	vld.idx.msk [tilespmem:v53+s16+$0x0], $0xffff;
	v3 =	vadd.f32 v4, v3;
	v4 =	vmul.f32 v52, v51  }
0xe1: {  	v59 =	vor.u32 $0x1E, v2;
	v58 =	vld.idx.msk [tilespmem:v53+s17+$0x0], $0xffff  }
0xe2: {  	v60 =	vld.idx.msk [tilespmem:v55+s16+$0x0], $0xffff;
	v3 =	vadd.f32 v4, v3;
	v4 =	vmul.f32 v7, v54  }
0xe3: {  	v2 =	vor.u32 $0x1F, v2;
	v7 =	vld.idx.msk [tilespmem:v55+s17+$0x0], $0xffff  }
0xe4: {  	v61 =	vld.idx.msk [tilespmem:v6+s16+$0x0], $0xffff;
	v3 =	vadd.f32 v4, v3;
	v4 =	vmul.f32 v5, v56  }
0xe5: {  	v5 =	vld.idx.msk [tilespmem:v6+s17+$0x0], $0xffff  }
0xe6: {  	v62 =	vld.idx.msk [tilespmem:v59+s17+$0x0], $0xffff;
	v3 =	vadd.f32 v4, v3;
	v4 =	vmul.f32 v58, v57  }
0xe7: {  	v6 =	vld.idx.msk [tilespmem:v59+s16+$0x0], $0xffff  }
0xe8: {  	v63 =	vld.idx.msk [tilespmem:v2+s16+$0x0], $0xffff;
	v3 =	vadd.f32 v4, v3;
	v4 =	vmul.f32 v7, v60  }
0xe9: {  	v7 =	vld.idx.msk [tilespmem:v2+s17+$0x0], $0xffff  }
0xea: {  	v2 =	vadd.f32 v4, v3;
	v3 =	vmul.f32 v5, v61;
	_ =	sdelay $0x1  }
0xeb: {  	s24 =	simm.s32 $0x20;
	v5 =	vmul.f32 v62, v6;
	v3 =	vadd.f32 v3, v2  }
0xec: {  	v4 =	vmov s24  }
0xed: {  	v2 =	vshll.u32 v4, $0x5;
	v4 =	vmul.f32 v7, v63;
	v3 =	vadd.f32 v5, v3  }
0xee: {  	s23 =	simm.s32 $0x8810;
	s24 =	simm.s32 $0x30;
	v2 =	vor.u32 v0, v2  }
.LBB2_2:
0xef: {  	p0 =	sne.s32 s24, $0x1F0;
	v3 =	vadd.f32 v4, v3  }
0xf0: {  	s23 =	sadd.s32 $0x10, s23  }
0xf1: {  	v4 =	vor.u32 $0x1, v2;
	[tilespmem:s23+$0x0] =	vst v3  }
0xf2: {  	s20 =	sadd.s32 $0x10, s20;
	v3 =	vld.idx.msk [tilespmem:v2+s16+$0x0], $0xffff  }
0xf3: {  	v6 =	vor.u32 $0x2, v2;
	s21 =	sadd.s32 $0x10, s21;
	v5 =	vld [tilespmem:s20+$0x0]  }
0xf4: {  	v7 =	vld [tilespmem:s21+$0x0]  }
0xf5: {  	v9 =	vor.u32 $0x3, v2;
	v8 =	vld.idx.msk [tilespmem:v2+s17+$0x0], $0xffff  }
0xf6: {  	v10 =	vld.idx.msk [tilespmem:v4+s16+$0x0], $0xffff  }
0xf7: {  	v11 =	vor.u32 $0x4, v2;
	v4 =	vld.idx.msk [tilespmem:v4+s17+$0x0], $0xffff  }
0xf8: {  	v12 =	vld.idx.msk [tilespmem:v6+s16+$0x0], $0xffff  }
0xf9: {  	v5 =	vmul.f32 v5, v7;
	v6 =	vld.idx.msk [tilespmem:v6+s17+$0x0], $0xffff;
	v7 =	vor.u32 $0x5, v2  }
0xfa: {  	v13 =	vld.idx.msk [tilespmem:v9+s16+$0x0], $0xffff  }
0xfb: {  	v3 =	vmul.f32 v8, v3;
	v5 =	vadd.f32 v5, v1;
	v8 =	vld.idx.msk [tilespmem:v9+s17+$0x0], $0xffff;
	v9 =	vor.u32 $0x6, v2  }
0xfc: {  	v14 =	vld.idx.msk [tilespmem:v11+s16+$0x0], $0xffff  }
0xfd: {  	v4 =	vmul.f32 v4, v10;
	v10 =	vor.u32 $0x7, v2;
	v3 =	vadd.f32 v3, v5;
	v5 =	vld.idx.msk [tilespmem:v11+s17+$0x0], $0xffff  }
0xfe: {  	v11 =	vld.idx.msk [tilespmem:v7+s16+$0x0], $0xffff  }
0xff: {  	v3 =	vadd.f32 v4, v3;
	v4 =	vmul.f32 v6, v12;
	v6 =	vld.idx.msk [tilespmem:v7+s17+$0x0], $0xffff;
	v7 =	vor.u32 $0x8, v2  }
0x100: {  	v12 =	vld.idx.msk [tilespmem:v9+s16+$0x0], $0xffff  }
0x101: {  	v3 =	vadd.f32 v4, v3;
	v4 =	vmul.f32 v8, v13;
	v8 =	vld.idx.msk [tilespmem:v9+s17+$0x0], $0xffff;
	v9 =	vor.u32 $0x9, v2  }
0x102: {  	v13 =	vld.idx.msk [tilespmem:v10+s16+$0x0], $0xffff  }
0x103: {  	v3 =	vadd.f32 v4, v3;
	v4 =	vmul.f32 v5, v14;
	v5 =	vld.idx.msk [tilespmem:v10+s17+$0x0], $0xffff;
	v10 =	vor.u32 $0xA, v2  }
0x104: {  	v14 =	vld.idx.msk [tilespmem:v7+s16+$0x0], $0xffff  }
0x105: {  	v3 =	vadd.f32 v4, v3;
	v4 =	vmul.f32 v6, v11;
	v6 =	vld.idx.msk [tilespmem:v7+s17+$0x0], $0xffff;
	v7 =	vor.u32 $0xB, v2  }
0x106: {  	v11 =	vld.idx.msk [tilespmem:v9+s16+$0x0], $0xffff  }
0x107: {  	v3 =	vadd.f32 v4, v3;
	v4 =	vmul.f32 v8, v12;
	v8 =	vld.idx.msk [tilespmem:v9+s17+$0x0], $0xffff;
	v9 =	vor.u32 $0xC, v2  }
0x108: {  	v12 =	vld.idx.msk [tilespmem:v10+s16+$0x0], $0xffff  }
0x109: {  	v3 =	vadd.f32 v4, v3;
	v4 =	vmul.f32 v5, v13;
	v5 =	vld.idx.msk [tilespmem:v10+s17+$0x0], $0xffff;
	v10 =	vor.u32 $0xD, v2  }
0x10a: {  	v13 =	vld.idx.msk [tilespmem:v7+s16+$0x0], $0xffff  }
0x10b: {  	v3 =	vadd.f32 v4, v3;
	v4 =	vmul.f32 v6, v14;
	v6 =	vld.idx.msk [tilespmem:v7+s17+$0x0], $0xffff;
	v7 =	vor.u32 $0xE, v2  }
0x10c: {  	v14 =	vld.idx.msk [tilespmem:v9+s16+$0x0], $0xffff  }
0x10d: {  	v3 =	vadd.f32 v4, v3;
	v4 =	vmul.f32 v8, v11;
	v8 =	vld.idx.msk [tilespmem:v9+s17+$0x0], $0xffff;
	v9 =	vor.u32 $0xF, v2  }
0x10e: {  	v11 =	vld.idx.msk [tilespmem:v10+s16+$0x0], $0xffff  }
0x10f: {  	v3 =	vadd.f32 v4, v3;
	v4 =	vmul.f32 v5, v12;
	v5 =	vld.idx.msk [tilespmem:v10+s17+$0x0], $0xffff;
	v10 =	vor.u32 $0x10, v2  }
0x110: {  	v12 =	vld.idx.msk [tilespmem:v7+s16+$0x0], $0xffff  }
0x111: {  	v3 =	vadd.f32 v4, v3;
	v4 =	vmul.f32 v6, v13;
	v6 =	vld.idx.msk [tilespmem:v7+s17+$0x0], $0xffff;
	v7 =	vor.u32 $0x11, v2  }
0x112: {  	v13 =	vld.idx.msk [tilespmem:v9+s16+$0x0], $0xffff  }
0x113: {  	v3 =	vadd.f32 v4, v3;
	v4 =	vmul.f32 v8, v14;
	v8 =	vld.idx.msk [tilespmem:v9+s17+$0x0], $0xffff;
	v9 =	vor.u32 $0x12, v2  }
0x114: {  	v14 =	vld.idx.msk [tilespmem:v10+s16+$0x0], $0xffff  }
0x115: {  	v3 =	vadd.f32 v4, v3;
	v4 =	vmul.f32 v5, v11;
	v5 =	vld.idx.msk [tilespmem:v10+s17+$0x0], $0xffff;
	v10 =	vor.u32 $0x13, v2  }
0x116: {  	v11 =	vld.idx.msk [tilespmem:v7+s16+$0x0], $0xffff  }
0x117: {  	v3 =	vadd.f32 v4, v3;
	v4 =	vmul.f32 v6, v12;
	v6 =	vld.idx.msk [tilespmem:v7+s17+$0x0], $0xffff;
	v7 =	vor.u32 $0x14, v2  }
0x118: {  	v12 =	vld.idx.msk [tilespmem:v9+s16+$0x0], $0xffff  }
0x119: {  	v3 =	vadd.f32 v4, v3;
	v4 =	vmul.f32 v8, v13;
	v8 =	vld.idx.msk [tilespmem:v9+s17+$0x0], $0xffff;
	v9 =	vor.u32 $0x15, v2  }
0x11a: {  	v13 =	vld.idx.msk [tilespmem:v10+s16+$0x0], $0xffff  }
0x11b: {  	v3 =	vadd.f32 v4, v3;
	v4 =	vmul.f32 v5, v14;
	v5 =	vld.idx.msk [tilespmem:v10+s17+$0x0], $0xffff;
	v10 =	vor.u32 $0x16, v2  }
0x11c: {  	v14 =	vld.idx.msk [tilespmem:v7+s16+$0x0], $0xffff  }
0x11d: {  	v3 =	vadd.f32 v4, v3;
	v4 =	vmul.f32 v6, v11;
	v6 =	vld.idx.msk [tilespmem:v7+s17+$0x0], $0xffff;
	v7 =	vor.u32 $0x17, v2  }
0x11e: {  	v11 =	vld.idx.msk [tilespmem:v9+s16+$0x0], $0xffff  }
0x11f: {  	v3 =	vadd.f32 v4, v3;
	v4 =	vmul.f32 v8, v12;
	v8 =	vld.idx.msk [tilespmem:v9+s17+$0x0], $0xffff;
	v9 =	vor.u32 $0x18, v2  }
0x120: {  	v12 =	vld.idx.msk [tilespmem:v10+s16+$0x0], $0xffff  }
0x121: {  	v3 =	vadd.f32 v4, v3;
	v4 =	vmul.f32 v5, v13;
	v5 =	vld.idx.msk [tilespmem:v10+s17+$0x0], $0xffff;
	v10 =	vor.u32 $0x19, v2  }
0x122: {  	v13 =	vld.idx.msk [tilespmem:v7+s16+$0x0], $0xffff  }
0x123: {  	v3 =	vadd.f32 v4, v3;
	v4 =	vmul.f32 v6, v14;
	v6 =	vld.idx.msk [tilespmem:v7+s17+$0x0], $0xffff;
	v7 =	vor.u32 $0x1A, v2  }
0x124: {  	v14 =	vld.idx.msk [tilespmem:v9+s16+$0x0], $0xffff  }
0x125: {  	v3 =	vadd.f32 v4, v3;
	v4 =	vmul.f32 v8, v11;
	v8 =	vld.idx.msk [tilespmem:v9+s17+$0x0], $0xffff;
	v9 =	vor.u32 $0x1B, v2  }
0x126: {  	v11 =	vld.idx.msk [tilespmem:v10+s16+$0x0], $0xffff  }
0x127: {  	v3 =	vadd.f32 v4, v3;
	v4 =	vmul.f32 v5, v12;
	v5 =	vld.idx.msk [tilespmem:v10+s17+$0x0], $0xffff;
	v10 =	vor.u32 $0x1C, v2  }
0x128: {  	v12 =	vld.idx.msk [tilespmem:v7+s16+$0x0], $0xffff  }
0x129: {  	v3 =	vadd.f32 v4, v3;
	v4 =	vmul.f32 v6, v13;
	v6 =	vld.idx.msk [tilespmem:v7+s17+$0x0], $0xffff;
	v7 =	vor.u32 $0x1D, v2  }
0x12a: {  	v13 =	vld.idx.msk [tilespmem:v9+s16+$0x0], $0xffff  }
0x12b: {  	v3 =	vadd.f32 v4, v3;
	v4 =	vmul.f32 v8, v14;
	v8 =	vld.idx.msk [tilespmem:v9+s17+$0x0], $0xffff;
	v9 =	vor.u32 $0x1E, v2  }
0x12c: {  	v14 =	vld.idx.msk [tilespmem:v10+s16+$0x0], $0xffff  }
0x12d: {  	v2 =	vor.u32 $0x1F, v2;
	v3 =	vadd.f32 v4, v3;
	v4 =	vmul.f32 v5, v11;
	v5 =	vld.idx.msk [tilespmem:v10+s17+$0x0], $0xffff  }
0x12e: {  	v10 =	vld.idx.msk [tilespmem:v7+s16+$0x0], $0xffff  }
0x12f: {  	v3 =	vadd.f32 v4, v3;
	v4 =	vmul.f32 v6, v12;
	v6 =	vld.idx.msk [tilespmem:v7+s17+$0x0], $0xffff  }
0x130: {  	v7 =	vld.idx.msk [tilespmem:v9+s16+$0x0], $0xffff  }
0x131: {  	v3 =	vadd.f32 v4, v3;
	v4 =	vmul.f32 v8, v13;
	v8 =	vld.idx.msk [tilespmem:v9+s17+$0x0], $0xffff  }
0x132: {  	v9 =	vld.idx.msk [tilespmem:v2+s16+$0x0], $0xffff  }
0x133: {  	v3 =	vadd.f32 v4, v3;
	v4 =	vmul.f32 v5, v14;
	v5 =	vld.idx.msk [tilespmem:v2+s17+$0x0], $0xffff;
	_ =	sdelay $0x1  }
0x134: {  	v2 =	vadd.f32 v4, v3;
	v3 =	vmul.f32 v6, v10  }
.Ltmp0:
0x135: {  	(pc) =	sbr.rel @p0 .LBB2_2-.Ltmp0, $4  }
0x136: {  	v4 =	vmov s24;
	v6 =	vmul.f32 v8, v7;
	v3 =	vadd.f32 v3, v2  }
0x137: {  	v2 =	vshll.u32 v4, $0x5  }
0x138: {  	v2 =	vor.u32 v0, v2;
	v4 =	vmul.f32 v5, v9;
	v3 =	vadd.f32 v6, v3  }
0x139: {  	s24 =	sadd.s32 $0x10, s24  }
0x13a: {  	v3 =	vadd.f32 v4, v3  }
0x13b: {  	s23 =	sadd.s32 $0x10, s23  }
0x13c: {  	v29 =	vor.u32 $0x1, v2;
	s20 =	sadd.s32 $0x10, s20;
	[tilespmem:s23+$0x0] =	vst v3  }
0x13d: {  	s21 =	sadd.s32 $0x10, s21;
	v3 =	vld [tilespmem:s20+$0x0]  }
0x13e: {  	v5 =	vor.u32 $0x2, v2;
	v6 =	vld [tilespmem:s21+$0x0]  }
0x13f: {  	v7 =	vld.idx.msk [tilespmem:v2+s16+$0x0], $0xffff  }
0x140: {  	v9 =	vor.u32 $0x3, v2;
	v8 =	vld.idx.msk [tilespmem:v2+s17+$0x0], $0xffff  }
0x141: {  	v10 =	vld.idx.msk [tilespmem:v29+s16+$0x0], $0xffff  }
0x142: {  	v11 =	vor.u32 $0x4, v2;
	v4 =	vld.idx.msk [tilespmem:v29+s17+$0x0], $0xffff  }
0x143: {  	v12 =	vld.idx.msk [tilespmem:v5+s16+$0x0], $0xffff;
	v3 =	vmul.f32 v3, v6  }
0x144: {  	v30 =	vor.u32 $0x5, v2;
	v5 =	vld.idx.msk [tilespmem:v5+s17+$0x0], $0xffff  }
0x145: {  	v13 =	vld.idx.msk [tilespmem:v9+s16+$0x0], $0xffff;
	v1 =	vadd.f32 v3, v1;
	v3 =	vmul.f32 v8, v7  }
0x146: {  	v32 =	vor.u32 $0x6, v2;
	v31 =	vld.idx.msk [tilespmem:v9+s17+$0x0], $0xffff  }
0x147: {  	v33 =	vld.idx.msk [tilespmem:v11+s16+$0x0], $0xffff;
	v1 =	vadd.f32 v3, v1;
	v3 =	vmul.f32 v4, v10  }
0x148: {  	v35 =	vor.u32 $0x7, v2;
	v34 =	vld.idx.msk [tilespmem:v11+s17+$0x0], $0xffff  }
0x149: {  	v36 =	vld.idx.msk [tilespmem:v30+s16+$0x0], $0xffff;
	v1 =	vadd.f32 v3, v1;
	v3 =	vmul.f32 v5, v12  }
0x14a: {  	v38 =	vor.u32 $0x8, v2;
	v37 =	vld.idx.msk [tilespmem:v30+s17+$0x0], $0xffff  }
0x14b: {  	v39 =	vld.idx.msk [tilespmem:v32+s16+$0x0], $0xffff;
	v1 =	vadd.f32 v3, v1;
	v3 =	vmul.f32 v31, v13  }
0x14c: {  	v41 =	vor.u32 $0x9, v2;
	v40 =	vld.idx.msk [tilespmem:v32+s17+$0x0], $0xffff  }
0x14d: {  	v42 =	vld.idx.msk [tilespmem:v35+s16+$0x0], $0xffff;
	v1 =	vadd.f32 v3, v1;
	v3 =	vmul.f32 v34, v33  }
0x14e: {  	v44 =	vor.u32 $0xA, v2;
	v43 =	vld.idx.msk [tilespmem:v35+s17+$0x0], $0xffff  }
0x14f: {  	v45 =	vld.idx.msk [tilespmem:v38+s16+$0x0], $0xffff;
	v1 =	vadd.f32 v3, v1;
	v3 =	vmul.f32 v37, v36  }
0x150: {  	v47 =	vor.u32 $0xB, v2;
	v46 =	vld.idx.msk [tilespmem:v38+s17+$0x0], $0xffff  }
0x151: {  	v48 =	vld.idx.msk [tilespmem:v41+s16+$0x0], $0xffff;
	v1 =	vadd.f32 v3, v1;
	v3 =	vmul.f32 v40, v39  }
0x152: {  	v50 =	vor.u32 $0xC, v2;
	v49 =	vld.idx.msk [tilespmem:v41+s17+$0x0], $0xffff  }
0x153: {  	v51 =	vld.idx.msk [tilespmem:v44+s16+$0x0], $0xffff;
	v1 =	vadd.f32 v3, v1;
	v3 =	vmul.f32 v43, v42  }
0x154: {  	v53 =	vor.u32 $0xD, v2;
	v52 =	vld.idx.msk [tilespmem:v44+s17+$0x0], $0xffff  }
0x155: {  	v54 =	vld.idx.msk [tilespmem:v47+s16+$0x0], $0xffff;
	v1 =	vadd.f32 v3, v1;
	v3 =	vmul.f32 v46, v45  }
0x156: {  	v56 =	vor.u32 $0xE, v2;
	v55 =	vld.idx.msk [tilespmem:v47+s17+$0x0], $0xffff  }
0x157: {  	v57 =	vld.idx.msk [tilespmem:v50+s16+$0x0], $0xffff;
	v1 =	vadd.f32 v3, v1;
	v3 =	vmul.f32 v49, v48  }
0x158: {  	v59 =	vor.u32 $0xF, v2;
	v58 =	vld.idx.msk [tilespmem:v50+s17+$0x0], $0xffff  }
0x159: {  	v60 =	vld.idx.msk [tilespmem:v53+s16+$0x0], $0xffff;
	v1 =	vadd.f32 v3, v1;
	v3 =	vmul.f32 v52, v51  }
0x15a: {  	v62 =	vor.u32 $0x10, v2;
	v61 =	vld.idx.msk [tilespmem:v53+s17+$0x0], $0xffff  }
0x15b: {  	v63 =	vld.idx.msk [tilespmem:v56+s16+$0x0], $0xffff;
	v1 =	vadd.f32 v3, v1;
	v3 =	vmul.f32 v55, v54  }
0x15c: {  	v17 =	vor.u32 $0x11, v2;
	v16 =	vld.idx.msk [tilespmem:v56+s17+$0x0], $0xffff  }
0x15d: {  	v18 =	vld.idx.msk [tilespmem:v59+s16+$0x0], $0xffff;
	v1 =	vadd.f32 v3, v1;
	v3 =	vmul.f32 v58, v57  }
0x15e: {  	v20 =	vor.u32 $0x12, v2;
	v19 =	vld.idx.msk [tilespmem:v59+s17+$0x0], $0xffff  }
0x15f: {  	v21 =	vld.idx.msk [tilespmem:v62+s16+$0x0], $0xffff;
	v1 =	vadd.f32 v3, v1;
	v3 =	vmul.f32 v61, v60  }
0x160: {  	v23 =	vor.u32 $0x13, v2;
	v22 =	vld.idx.msk [tilespmem:v62+s17+$0x0], $0xffff  }
0x161: {  	v24 =	vld.idx.msk [tilespmem:v17+s16+$0x0], $0xffff;
	v1 =	vadd.f32 v3, v1;
	v3 =	vmul.f32 v16, v63  }
0x162: {  	v26 =	vor.u32 $0x14, v2;
	v25 =	vld.idx.msk [tilespmem:v17+s17+$0x0], $0xffff  }
0x163: {  	v27 =	vld.idx.msk [tilespmem:v20+s16+$0x0], $0xffff;
	v1 =	vadd.f32 v3, v1;
	v3 =	vmul.f32 v19, v18  }
0x164: {  	v28 =	vld.idx.msk [tilespmem:v20+s17+$0x0], $0xffff;
	v29 =	vor.u32 $0x15, v2  }
0x165: {  	v30 =	vld.idx.msk [tilespmem:v23+s16+$0x0], $0xffff;
	v1 =	vadd.f32 v3, v1;
	v3 =	vmul.f32 v22, v21  }
0x166: {  	v32 =	vor.u32 $0x16, v2;
	v31 =	vld.idx.msk [tilespmem:v23+s17+$0x0], $0xffff  }
0x167: {  	v33 =	vld.idx.msk [tilespmem:v26+s16+$0x0], $0xffff;
	v1 =	vadd.f32 v3, v1;
	v3 =	vmul.f32 v25, v24  }
0x168: {  	v35 =	vor.u32 $0x17, v2;
	v34 =	vld.idx.msk [tilespmem:v26+s17+$0x0], $0xffff  }
0x169: {  	v36 =	vld.idx.msk [tilespmem:v29+s16+$0x0], $0xffff;
	v1 =	vadd.f32 v3, v1;
	v3 =	vmul.f32 v28, v27  }
0x16a: {  	v38 =	vor.u32 $0x18, v2;
	v37 =	vld.idx.msk [tilespmem:v29+s17+$0x0], $0xffff  }
0x16b: {  	v39 =	vld.idx.msk [tilespmem:v32+s16+$0x0], $0xffff;
	v1 =	vadd.f32 v3, v1;
	v3 =	vmul.f32 v31, v30  }
0x16c: {  	v41 =	vor.u32 $0x19, v2;
	v40 =	vld.idx.msk [tilespmem:v32+s17+$0x0], $0xffff  }
0x16d: {  	v42 =	vld.idx.msk [tilespmem:v35+s16+$0x0], $0xffff;
	v1 =	vadd.f32 v3, v1;
	v3 =	vmul.f32 v34, v33  }
0x16e: {  	v44 =	vor.u32 $0x1A, v2;
	v43 =	vld.idx.msk [tilespmem:v35+s17+$0x0], $0xffff  }
0x16f: {  	v45 =	vld.idx.msk [tilespmem:v38+s16+$0x0], $0xffff;
	v1 =	vadd.f32 v3, v1;
	v3 =	vmul.f32 v37, v36  }
0x170: {  	v47 =	vor.u32 $0x1B, v2;
	v46 =	vld.idx.msk [tilespmem:v38+s17+$0x0], $0xffff  }
0x171: {  	v48 =	vld.idx.msk [tilespmem:v41+s16+$0x0], $0xffff;
	v1 =	vadd.f32 v3, v1;
	v3 =	vmul.f32 v40, v39  }
0x172: {  	v50 =	vor.u32 $0x1C, v2;
	v49 =	vld.idx.msk [tilespmem:v41+s17+$0x0], $0xffff  }
0x173: {  	v51 =	vld.idx.msk [tilespmem:v44+s16+$0x0], $0xffff;
	v1 =	vadd.f32 v3, v1;
	v3 =	vmul.f32 v43, v42  }
0x174: {  	v53 =	vor.u32 $0x1D, v2;
	v52 =	vld.idx.msk [tilespmem:v44+s17+$0x0], $0xffff  }
0x175: {  	v54 =	vld.idx.msk [tilespmem:v47+s16+$0x0], $0xffff;
	v1 =	vadd.f32 v3, v1;
	v3 =	vmul.f32 v46, v45  }
0x176: {  	v56 =	vor.u32 $0x1E, v2;
	v55 =	vld.idx.msk [tilespmem:v47+s17+$0x0], $0xffff  }
0x177: {  	v57 =	vld.idx.msk [tilespmem:v50+s16+$0x0], $0xffff;
	v1 =	vadd.f32 v3, v1;
	v3 =	vmul.f32 v49, v48  }
0x178: {  	v2 =	vor.u32 $0x1F, v2;
	v58 =	vld.idx.msk [tilespmem:v50+s17+$0x0], $0xffff  }
0x179: {  	v59 =	vld.idx.msk [tilespmem:v53+s16+$0x0], $0xffff;
	v1 =	vadd.f32 v3, v1;
	v3 =	vmul.f32 v52, v51  }
0x17a: {  	v60 =	vld.idx.msk [tilespmem:v53+s17+$0x0], $0xffff  }
0x17b: {  	v62 =	vld.idx.msk [tilespmem:v56+s17+$0x0], $0xffff;
	v1 =	vadd.f32 v3, v1;
	v3 =	vmul.f32 v55, v54  }
0x17c: {  	v61 =	vld.idx.msk [tilespmem:v56+s16+$0x0], $0xffff  }
0x17d: {  	v63 =	vld.idx.msk [tilespmem:v2+s16+$0x0], $0xffff;
	v1 =	vadd.f32 v3, v1;
	v3 =	vmul.f32 v58, v57  }
0x17e: {  	v2 =	vld.idx.msk [tilespmem:v2+s17+$0x0], $0xffff  }
0x17f: {  	v1 =	vadd.f32 v3, v1;
	v3 =	vmul.f32 v60, v59;
	_ =	sdelay $0x1  }
0x180: {  	v1 =	vadd.f32 v3, v1;
	v3 =	vmul.f32 v62, v61;
	_ =	sdelay $0x1  }
0x181: {  	v2 =	vmul.f32 v2, v63;
	v1 =	vadd.f32 v3, v1;
	_ =	sdelay $0x1  }
0x182: {  	s19 =	sadd.s32 $0x1, s19;
	v1 =	vadd.f32 v2, v1  }
0x183: {  	s24 =	sadd.s32 $0x10, s23;
	p0 =	sne.s32 s19, s11  }
.Ltmp1:
0x184: {  	[tilespmem:s24+$0x0] =	vst v1;
	(pc) =	sbr.rel @p0 .LBB2_1-.Ltmp1, $4  }
0x185: {  	[hbm4b:s10+s2] =	stream.linear.scatter [tilespmem:s18], [sflag:$0x3], $0x200, $0x38;
	[tilespmem:$0x8A10] =	vst v63  }
0x186: {  	_ =	swait.ge [sflag:s12], $0x200  }
0x187: {  	[sflag:s12] =	ssyncset.done $0x0  }
0x188: {  	[sflag:s12] =	ssyncadd.s32 $0xFFFFFE00  }
0x189: {  	_ =	sfence.sel $0x180000  }
0x18a: {  	[bflag:$0x0] =	sbarrier.arrive $0xFFFF  }
0x18b: {  	_ =	strace $0x90000047  }
0x18c: {  	s0 =	stileid.u32;
	[bflag:$0x2] =	sbarrier.arrive $0xFFFF  }
0x18d: {  	p0 =	sne.s32 s0, $0x0;
	s0 =	rddreg [dreg:$0x6]  }
0x18e: {  	s0 =	sadd.s32 @!p0 $0x100000, s0  }
0x18f: {  	[sflag:s0] =	ssyncadd.tile.s32 @!p0 $0x1;
	_ =	shalt  }
.Lfunc_end2:
_tile_overlayer_lowered:
.L_overlay_start_2:
0x190: {  	(tag) =	ssettag $0x2  }
0x191: {  	s0 =	rddreg [dreg:$0x0];
	s2 =	stileid.u32  }
0x192: {  	s1 =	rddreg [dreg:$0x1];
	p0 =	sne.s32 s2, $0x0  }
0x193: {  	s3 =	rddreg [dreg:$0x2];
	[bflag:$0x3] =	sbarrier.arrive $0xFFFF;
	s2 =	simm.s32 @!p0 $0x1C03  }
0x194: {  	[timem:s3], [sflag:s2] =	dma.local @!p0 [hbm:s0], s1  }
0x195: {  	s0 =	simm.s32 @!p0 $0x3  }
0x196: {  	_ =	swait.ge @!p0 [sflag:s0], s1  }
0x197: {  	s1 =	ssub.s32 @!p0 $0x0, s1;
	[sflag:s0] =	ssyncset.done @!p0 $0x0  }
0x198: {  	[sflag:s0] =	ssyncadd.s32 @!p0 s1  }
0x199: {  	[bflag:$0x3] =	sbarrier.arrive $0xFFFF  }
0x19a: {  	_ =	shalt  }

</sc_bundles>
